<compile_context>
chip_gen: v7x
topology: tpu7x:2x2x1
jax: 0.10.2.dev20260603
libtpu: 0.0.44.dev20260713+nightly
codegen_flags: <defaults>
</compile_context>

<pallas_src>
import functools

import numpy as np
import jax
import jax.numpy as jnp
from jax import lax
from jax.experimental import pallas as pl
from jax.experimental.pallas import tpu as pltpu
from jax.experimental.pallas import tpu_sc as plsc

_OMEGA_SCALE = 10000


def _pos_table(seqlen, dims):
    positions = np.arange(seqlen)[:, np.newaxis]
    omega = 1 / np.power(_OMEGA_SCALE, 2 * (np.arange(dims, dtype=int) // 2) / np.float64(dims))
    emb = positions * omega
    emb[:, 0::2] = np.sin(emb[:, 0::2])
    emb[:, 1::2] = np.cos(emb[:, 1::2])
    return emb.astype(np.float32)


@functools.lru_cache(maxsize=None)
def _make_embed(V, D, N, S):
    info = plsc.get_sparse_core_info()
    NC, NS, L = info.num_cores, info.num_subcores, info.num_lanes
    NW = NC * NS
    n_per_w = N // NW
    W = 100
    C = 8 * S
    G = C // W
    n_chunks = n_per_w // C
    VN = D // L
    assert N % NW == 0 and n_per_w % C == 0 and C % W == 0 and C % S == 0
    assert N % W == 0 and D % L == 0 and G % 8 == 0

    mesh = plsc.VectorSubcoreMesh(core_axis_name="c", subcore_axis_name="s")

    @functools.partial(
        pl.kernel, mesh=mesh,
        compiler_params=pltpu.CompilerParams(use_tc_tiling_on_sc=False),
        out_type=jax.ShapeDtypeStruct((N // S, S, D), jnp.float32),
        scratch_types=[
            pltpu.VMEM((G, W), jnp.int32),
            pltpu.VMEM((C // S, S, D), jnp.float32),
            pltpu.VMEM((S, D), jnp.float32),
            pltpu.SemaphoreType.DMA,
        ],
    )
    def k(table_hbm, idx_hbm, pos_hbm, out_hbm, idx_v, rows_v, pos_v, sem):
        wid = lax.axis_index("s") * NC + lax.axis_index("c")
        base = wid * n_per_w
        pltpu.sync_copy(pos_hbm, pos_v)

        def chunk_body(c, carry):
            cbase = pl.multiple_of(base + c * C, C)
            pltpu.sync_copy(idx_hbm.at[pl.ds(pl.multiple_of(cbase // W, 8), G)], idx_v)
            copies = [
                pltpu.async_copy(table_hbm.at[idx_v.at[j]],
                                 rows_v.at[(j * W) // S, pl.ds((j * W) % S, W)],
                                 sem)
                for j in range(G)
            ]
            for cp in copies:
                cp.wait()

            def add_body(s, acc):
                for v in range(VN):
                    p = pos_v[s, pl.ds(v * L, L)]
                    for q in range(C // S):
                        plsc.addupdate(rows_v.at[q, s, pl.ds(v * L, L)], p)
                return acc

            lax.fori_loop(0, S, add_body, 0)
            pltpu.sync_copy(rows_v, out_hbm.at[pl.ds(cbase // S, C // S)])
            return carry

        lax.fori_loop(0, n_chunks, chunk_body, 0)

    return k


def kernel(inputs, table):
    B, S = inputs.shape
    V, D = table.shape
    N = B * S
    flat = inputs.reshape(N).astype(jnp.int32)
    idx2d = flat.reshape(N // 100, 100)
    pos = jnp.asarray(_pos_table(S, D))
    out = _make_embed(V, D, N, S)(table, idx2d, pos)
    return out.reshape(B, S, D)

# --- scband reference (transcript-rebuilt; emitter-appended) ---
"""Pipeline reference for scband-embedding-6562710028737 (READ-ONLY COPY).

The authoritative reference and input builder live on the scoring server;
editing this copy changes nothing except your own understanding.
"""

import jax, jax.numpy as jnp
import numpy as np

OMEGA_SCALE = 10000

def omega(k, dims):
    return 1 / np.power(OMEGA_SCALE, 2 * k / np.float64(dims))

def positional_embeddings(max_pos, dims):
    positions = np.arange(max_pos)[:, np.newaxis]
    embeddings = positions * omega(np.arange(dims, dtype=int) // 2, dims)
    embeddings[:, 0::2] = np.sin(embeddings[:, 0::2])
    embeddings[:, 1::2] = np.cos(embeddings[:, 1::2])
    return embeddings

VOCAB = 1000000
DIM = 64
BATCH = 1024
SEQLEN = 200

def setup_inputs(seed: int = 0) -> dict:
    key = jax.random.key(seed)
    k1, k2 = jax.random.split(key)
    inputs = jax.random.randint(k1, (BATCH, SEQLEN), 0, VOCAB, dtype=jnp.int64 if jax.config.jax_enable_x64 else jnp.int32)
    table = jax.random.normal(k2, (VOCAB, DIM), dtype=jnp.float32) * 0.02
    return {"inputs": inputs, "table": table}

def reference(inputs, table):
    # token embedding lookup
    embed_out = jnp.take(table, inputs, axis=0)
    # positional embedding (fixed, non-trainable) added up to current seqlen
    seqlen = inputs.shape[-1]
    pos = jnp.asarray(positional_embeddings(seqlen, table.shape[1]), dtype=embed_out.dtype)
    embed_out = embed_out + pos[:seqlen]
    # dropout is identity at inference (training=False)
    return embed_out

if __name__ == "__main__":
    import jax
    _d = setup_inputs()
    print(jax.jit(kernel)(*tuple(_d.values())))

</pallas_src>

<mosaic_0001>
#map = affine_map<(d0, d1) -> (0, 0)>
#map1 = affine_map<(d0, d1) -> (0, 0, 0)>
module attributes {stable_mosaic.version = 14 : i64} {
  func.func @k(%arg0: i32, %arg1: i32, %arg2: memref<1000000x64xf32, #tpu.memory_space<hbm>>, %arg3: memref<2048x100xi32, #tpu.memory_space<hbm>>, %arg4: memref<200x64xf32, #tpu.memory_space<hbm>>, %arg5: memref<1024x200x64xf32, #tpu.memory_space<hbm>>, %arg6: memref<16x100xi32, #tpu.memory_space<vmem>>, %arg7: memref<8x200x64xf32, #tpu.memory_space<vmem>>, %arg8: memref<200x64xf32, #tpu.memory_space<vmem>>, %arg9: memref<!tpu.dma_semaphore, #tpu.memory_space<semaphore_mem>>) attributes {dimension_semantics = [#tpu.dimension_semantics<core_parallel>, #tpu.dimension_semantics<subcore_parallel>], iteration_bounds = array<i64: 2, 16>, scalar_prefetch = 0 : i64, scratch_operands = 4 : i64, tpu.core_type = #tpu.core_type<sc_vector_subcore>, window_params = [{transform_indices = #map}, {transform_indices = #map}, {transform_indices = #map}, {transform_indices = #map1}]} {
    %mul3A = arith.constant 2 : i32
    %mul3A_0 = arith.muli %arg1, %mul3A : i32
    %add3A = arith.addi %mul3A_0, %arg0 : i32
    %mul3A_1 = arith.constant 6400 : i32
    %mul3A_2 = arith.muli %add3A, %mul3A_1 : i32
    "tpu.region"() ({
      %run_scoped3A = tpu.sem_alloc : memref<!tpu.dma_semaphore, #tpu.memory_space<semaphore_mem>>
      tpu.enqueue_dma source(%arg4 : memref<200x64xf32, #tpu.memory_space<hbm>>) target(%arg8 : memref<200x64xf32, #tpu.memory_space<vmem>>) target_semaphore(%run_scoped3A : memref<!tpu.dma_semaphore, #tpu.memory_space<semaphore_mem>>)
      tpu.wait_dma2 semaphore(%run_scoped3A : memref<!tpu.dma_semaphore, #tpu.memory_space<semaphore_mem>>) src(%arg4 : memref<200x64xf32, #tpu.memory_space<hbm>>) dst(%arg8 : memref<200x64xf32, #tpu.memory_space<vmem>>)
      tpu.yield
    }) : () -> ()
    %scan3A = arith.constant 0 : i32
    %scan3A_3 = arith.constant 0 : i32
    %scan3A_4 = arith.constant 4 : i32
    %scan3A_5 = arith.addi %scan3A_3, %scan3A_4 : i32
    %scan3A_6 = arith.constant 1 : i32
    scf.for %scan3A_8 = %scan3A_3 to %scan3A_5 step %scan3A_6  : i32 {
      %mul3A_9 = arith.constant 1600 : i32
      %mul3A_10 = arith.muli %scan3A_8, %mul3A_9 : i32
      %add3A_11 = arith.addi %mul3A_2, %mul3A_10 : i32
      %multiple_of3A = tpu.assume_multiple %add3A_11, 1600 : i32
      %jit3A = arith.constant 100 : i32
      %div3A = arith.divsi %multiple_of3A, %jit3A : i32
      %sign3A = arith.constant 0 : i32
      %sign3A_12 = arith.cmpi sgt, %multiple_of3A, %sign3A : i32
      %sign3A_13 = arith.extui %sign3A_12 : i1 to i32
      %sign3A_14 = arith.constant 0 : i32
      %sign3A_15 = arith.cmpi slt, %multiple_of3A, %sign3A_14 : i32
      %sign3A_16 = arith.extui %sign3A_15 : i1 to i32
      %sign3A_17 = arith.subi %sign3A_13, %sign3A_16 : i32
      %sign3A_18 = arith.constant 0 : i32
      %sign3A_19 = arith.cmpi sgt, %jit3A, %sign3A_18 : i32
      %sign3A_20 = arith.extui %sign3A_19 : i1 to i32
      %sign3A_21 = arith.constant 0 : i32
      %sign3A_22 = arith.cmpi slt, %jit3A, %sign3A_21 : i32
      %sign3A_23 = arith.extui %sign3A_22 : i1 to i32
      %sign3A_24 = arith.subi %sign3A_20, %sign3A_23 : i32
      %ne3A = arith.cmpi ne, %sign3A_17, %sign3A_24 : i32
      %rem3A = arith.remsi %multiple_of3A, %jit3A : i32
      %ne3A_25 = arith.constant 0 : i32
      %ne3A_26 = arith.cmpi ne, %rem3A, %ne3A_25 : i32
      %and3A = arith.andi %ne3A, %ne3A_26 : i1
      %sub3A = arith.constant 1 : i32
      %sub3A_27 = arith.subi %div3A, %sub3A : i32
      %select_n3A = arith.select %and3A, %sub3A_27, %div3A : i32
      %multiple_of3A_28 = tpu.assume_multiple %select_n3A, 8 : i32
      "tpu.region"() ({
        %run_scoped3A = tpu.sem_alloc : memref<!tpu.dma_semaphore, #tpu.memory_space<semaphore_mem>>
        %dma_start3A_441 = arith.constant 0 : i32
        %dma_start3A_442 = tpu.memref_slice %arg3[%multiple_of3A_28, %dma_start3A_441] : memref<2048x100xi32, #tpu.memory_space<hbm>> -> memref<16x100xi32, #tpu.memory_space<hbm>>
        %dma_start3A_443 = arith.constant 0 : i32
        %dma_start3A_444 = tpu.memref_slice %arg3[%multiple_of3A_28, %dma_start3A_443] : memref<2048x100xi32, #tpu.memory_space<hbm>> -> memref<16x100xi32, #tpu.memory_space<hbm>>
        tpu.enqueue_dma source(%dma_start3A_444 : memref<16x100xi32, #tpu.memory_space<hbm>>) target(%arg6 : memref<16x100xi32, #tpu.memory_space<vmem>>) target_semaphore(%run_scoped3A : memref<!tpu.dma_semaphore, #tpu.memory_space<semaphore_mem>>)
        %dma_wait3A_445 = arith.constant 0 : i32
        %dma_wait3A_446 = tpu.memref_slice %arg3[%multiple_of3A_28, %dma_wait3A_445] : memref<2048x100xi32, #tpu.memory_space<hbm>> -> memref<16x100xi32, #tpu.memory_space<hbm>>
        %dma_wait3A_447 = arith.constant 0 : i32
        %dma_wait3A_448 = tpu.memref_slice %arg3[%multiple_of3A_28, %dma_wait3A_447] : memref<2048x100xi32, #tpu.memory_space<hbm>> -> memref<16x100xi32, #tpu.memory_space<hbm>>
        tpu.wait_dma2 semaphore(%run_scoped3A : memref<!tpu.dma_semaphore, #tpu.memory_space<semaphore_mem>>) src(%dma_wait3A_448 : memref<16x100xi32, #tpu.memory_space<hbm>>) dst(%arg6 : memref<16x100xi32, #tpu.memory_space<vmem>>)
        tpu.yield
      }) : () -> ()
      %dma_start3A = arith.constant 0 : i32
      %dma_start3A_29 = arith.constant 0 : i32
      %dma_start3A_30 = arith.constant 0 : i32
      %dma_start3A_31 = arith.constant 0 : i32
      %dma_start3A_32 = tpu.memref_slice %arg7[%dma_start3A_29, %dma_start3A_30, %dma_start3A_31] : memref<8x200x64xf32, #tpu.memory_space<vmem>> -> memref<1x100x64xf32, #tpu.memory_space<vmem>>
      %dma_start3A_33 = tpu.memref_squeeze %dma_start3A_32 : memref<1x100x64xf32, #tpu.memory_space<vmem>> -> memref<100x64xf32, #tpu.memory_space<vmem>>
      %dma_start3A_34 = arith.constant 0 : i32
      %dma_start3A_35 = tpu.memref_slice %arg6[%dma_start3A, %dma_start3A_34] : memref<16x100xi32, #tpu.memory_space<vmem>> -> memref<1x100xi32, #tpu.memory_space<vmem>>
      %dma_start3A_36 = tpu.memref_squeeze %dma_start3A_35 : memref<1x100xi32, #tpu.memory_space<vmem>> -> memref<100xi32, #tpu.memory_space<vmem>>
      %dma_start3A_37 = arith.constant 0 : i32
      %dma_start3A_38 = arith.constant 0 : i32
      %dma_start3A_39 = tpu.memref_slice %arg2[%dma_start3A_37, %dma_start3A_38] : memref<1000000x64xf32, #tpu.memory_space<hbm>> -> memref<1000000x64xf32, #tpu.memory_space<hbm>>
      tpu.enqueue_indirect_dma source(%dma_start3A_39 : memref<1000000x64xf32, #tpu.memory_space<hbm>>) target(%dma_start3A_33 : memref<100x64xf32, #tpu.memory_space<vmem>>) offsets(%dma_start3A_36 : memref<100xi32, #tpu.memory_space<vmem>>) semaphore(%arg9 : memref<!tpu.dma_semaphore, #tpu.memory_space<semaphore_mem>>)
      %dma_start3A_40 = arith.constant 1 : i32
      %dma_start3A_41 = arith.constant 0 : i32
      %dma_start3A_42 = arith.constant 100 : i32
      %dma_start3A_43 = arith.constant 0 : i32
      %dma_start3A_44 = tpu.memref_slice %arg7[%dma_start3A_41, %dma_start3A_42, %dma_start3A_43] : memref<8x200x64xf32, #tpu.memory_space<vmem>> -> memref<1x100x64xf32, #tpu.memory_space<vmem>>
      %dma_start3A_45 = tpu.memref_squeeze %dma_start3A_44 : memref<1x100x64xf32, #tpu.memory_space<vmem>> -> memref<100x64xf32, #tpu.memory_space<vmem>>
      %dma_start3A_46 = arith.constant 0 : i32
      %dma_start3A_47 = tpu.memref_slice %arg6[%dma_start3A_40, %dma_start3A_46] : memref<16x100xi32, #tpu.memory_space<vmem>> -> memref<1x100xi32, #tpu.memory_space<vmem>>
      %dma_start3A_48 = tpu.memref_squeeze %dma_start3A_47 : memref<1x100xi32, #tpu.memory_space<vmem>> -> memref<100xi32, #tpu.memory_space<vmem>>
      %dma_start3A_49 = arith.constant 0 : i32
      %dma_start3A_50 = arith.constant 0 : i32
      %dma_start3A_51 = tpu.memref_slice %arg2[%dma_start3A_49, %dma_start3A_50] : memref<1000000x64xf32, #tpu.memory_space<hbm>> -> memref<1000000x64xf32, #tpu.memory_space<hbm>>
      tpu.enqueue_indirect_dma source(%dma_start3A_51 : memref<1000000x64xf32, #tpu.memory_space<hbm>>) target(%dma_start3A_45 : memref<100x64xf32, #tpu.memory_space<vmem>>) offsets(%dma_start3A_48 : memref<100xi32, #tpu.memory_space<vmem>>) semaphore(%arg9 : memref<!tpu.dma_semaphore, #tpu.memory_space<semaphore_mem>>)
      %dma_start3A_52 = arith.constant 2 : i32
      %dma_start3A_53 = arith.constant 1 : i32
      %dma_start3A_54 = arith.constant 0 : i32
      %dma_start3A_55 = arith.constant 0 : i32
      %dma_start3A_56 = tpu.memref_slice %arg7[%dma_start3A_53, %dma_start3A_54, %dma_start3A_55] : memref<8x200x64xf32, #tpu.memory_space<vmem>> -> memref<1x100x64xf32, #tpu.memory_space<vmem>>
      %dma_start3A_57 = tpu.memref_squeeze %dma_start3A_56 : memref<1x100x64xf32, #tpu.memory_space<vmem>> -> memref<100x64xf32, #tpu.memory_space<vmem>>
      %dma_start3A_58 = arith.constant 0 : i32
      %dma_start3A_59 = tpu.memref_slice %arg6[%dma_start3A_52, %dma_start3A_58] : memref<16x100xi32, #tpu.memory_space<vmem>> -> memref<1x100xi32, #tpu.memory_space<vmem>>
      %dma_start3A_60 = tpu.memref_squeeze %dma_start3A_59 : memref<1x100xi32, #tpu.memory_space<vmem>> -> memref<100xi32, #tpu.memory_space<vmem>>
      %dma_start3A_61 = arith.constant 0 : i32
      %dma_start3A_62 = arith.constant 0 : i32
      %dma_start3A_63 = tpu.memref_slice %arg2[%dma_start3A_61, %dma_start3A_62] : memref<1000000x64xf32, #tpu.memory_space<hbm>> -> memref<1000000x64xf32, #tpu.memory_space<hbm>>
      tpu.enqueue_indirect_dma source(%dma_start3A_63 : memref<1000000x64xf32, #tpu.memory_space<hbm>>) target(%dma_start3A_57 : memref<100x64xf32, #tpu.memory_space<vmem>>) offsets(%dma_start3A_60 : memref<100xi32, #tpu.memory_space<vmem>>) semaphore(%arg9 : memref<!tpu.dma_semaphore, #tpu.memory_space<semaphore_mem>>)
      %dma_start3A_64 = arith.constant 3 : i32
      %dma_start3A_65 = arith.constant 1 : i32
      %dma_start3A_66 = arith.constant 100 : i32
      %dma_start3A_67 = arith.constant 0 : i32
      %dma_start3A_68 = tpu.memref_slice %arg7[%dma_start3A_65, %dma_start3A_66, %dma_start3A_67] : memref<8x200x64xf32, #tpu.memory_space<vmem>> -> memref<1x100x64xf32, #tpu.memory_space<vmem>>
      %dma_start3A_69 = tpu.memref_squeeze %dma_start3A_68 : memref<1x100x64xf32, #tpu.memory_space<vmem>> -> memref<100x64xf32, #tpu.memory_space<vmem>>
      %dma_start3A_70 = arith.constant 0 : i32
      %dma_start3A_71 = tpu.memref_slice %arg6[%dma_start3A_64, %dma_start3A_70] : memref<16x100xi32, #tpu.memory_space<vmem>> -> memref<1x100xi32, #tpu.memory_space<vmem>>
      %dma_start3A_72 = tpu.memref_squeeze %dma_start3A_71 : memref<1x100xi32, #tpu.memory_space<vmem>> -> memref<100xi32, #tpu.memory_space<vmem>>
      %dma_start3A_73 = arith.constant 0 : i32
      %dma_start3A_74 = arith.constant 0 : i32
      %dma_start3A_75 = tpu.memref_slice %arg2[%dma_start3A_73, %dma_start3A_74] : memref<1000000x64xf32, #tpu.memory_space<hbm>> -> memref<1000000x64xf32, #tpu.memory_space<hbm>>
      tpu.enqueue_indirect_dma source(%dma_start3A_75 : memref<1000000x64xf32, #tpu.memory_space<hbm>>) target(%dma_start3A_69 : memref<100x64xf32, #tpu.memory_space<vmem>>) offsets(%dma_start3A_72 : memref<100xi32, #tpu.memory_space<vmem>>) semaphore(%arg9 : memref<!tpu.dma_semaphore, #tpu.memory_space<semaphore_mem>>)
      %dma_start3A_76 = arith.constant 4 : i32
      %dma_start3A_77 = arith.constant 2 : i32
      %dma_start3A_78 = arith.constant 0 : i32
      %dma_start3A_79 = arith.constant 0 : i32
      %dma_start3A_80 = tpu.memref_slice %arg7[%dma_start3A_77, %dma_start3A_78, %dma_start3A_79] : memref<8x200x64xf32, #tpu.memory_space<vmem>> -> memref<1x100x64xf32, #tpu.memory_space<vmem>>
      %dma_start3A_81 = tpu.memref_squeeze %dma_start3A_80 : memref<1x100x64xf32, #tpu.memory_space<vmem>> -> memref<100x64xf32, #tpu.memory_space<vmem>>
      %dma_start3A_82 = arith.constant 0 : i32
      %dma_start3A_83 = tpu.memref_slice %arg6[%dma_start3A_76, %dma_start3A_82] : memref<16x100xi32, #tpu.memory_space<vmem>> -> memref<1x100xi32, #tpu.memory_space<vmem>>
      %dma_start3A_84 = tpu.memref_squeeze %dma_start3A_83 : memref<1x100xi32, #tpu.memory_space<vmem>> -> memref<100xi32, #tpu.memory_space<vmem>>
      %dma_start3A_85 = arith.constant 0 : i32
      %dma_start3A_86 = arith.constant 0 : i32
      %dma_start3A_87 = tpu.memref_slice %arg2[%dma_start3A_85, %dma_start3A_86] : memref<1000000x64xf32, #tpu.memory_space<hbm>> -> memref<1000000x64xf32, #tpu.memory_space<hbm>>
      tpu.enqueue_indirect_dma source(%dma_start3A_87 : memref<1000000x64xf32, #tpu.memory_space<hbm>>) target(%dma_start3A_81 : memref<100x64xf32, #tpu.memory_space<vmem>>) offsets(%dma_start3A_84 : memref<100xi32, #tpu.memory_space<vmem>>) semaphore(%arg9 : memref<!tpu.dma_semaphore, #tpu.memory_space<semaphore_mem>>)
      %dma_start3A_88 = arith.constant 5 : i32
      %dma_start3A_89 = arith.constant 2 : i32
      %dma_start3A_90 = arith.constant 100 : i32
      %dma_start3A_91 = arith.constant 0 : i32
      %dma_start3A_92 = tpu.memref_slice %arg7[%dma_start3A_89, %dma_start3A_90, %dma_start3A_91] : memref<8x200x64xf32, #tpu.memory_space<vmem>> -> memref<1x100x64xf32, #tpu.memory_space<vmem>>
      %dma_start3A_93 = tpu.memref_squeeze %dma_start3A_92 : memref<1x100x64xf32, #tpu.memory_space<vmem>> -> memref<100x64xf32, #tpu.memory_space<vmem>>
      %dma_start3A_94 = arith.constant 0 : i32
      %dma_start3A_95 = tpu.memref_slice %arg6[%dma_start3A_88, %dma_start3A_94] : memref<16x100xi32, #tpu.memory_space<vmem>> -> memref<1x100xi32, #tpu.memory_space<vmem>>
      %dma_start3A_96 = tpu.memref_squeeze %dma_start3A_95 : memref<1x100xi32, #tpu.memory_space<vmem>> -> memref<100xi32, #tpu.memory_space<vmem>>
      %dma_start3A_97 = arith.constant 0 : i32
      %dma_start3A_98 = arith.constant 0 : i32
      %dma_start3A_99 = tpu.memref_slice %arg2[%dma_start3A_97, %dma_start3A_98] : memref<1000000x64xf32, #tpu.memory_space<hbm>> -> memref<1000000x64xf32, #tpu.memory_space<hbm>>
      tpu.enqueue_indirect_dma source(%dma_start3A_99 : memref<1000000x64xf32, #tpu.memory_space<hbm>>) target(%dma_start3A_93 : memref<100x64xf32, #tpu.memory_space<vmem>>) offsets(%dma_start3A_96 : memref<100xi32, #tpu.memory_space<vmem>>) semaphore(%arg9 : memref<!tpu.dma_semaphore, #tpu.memory_space<semaphore_mem>>)
      %dma_start3A_100 = arith.constant 6 : i32
      %dma_start3A_101 = arith.constant 3 : i32
      %dma_start3A_102 = arith.constant 0 : i32
      %dma_start3A_103 = arith.constant 0 : i32
      %dma_start3A_104 = tpu.memref_slice %arg7[%dma_start3A_101, %dma_start3A_102, %dma_start3A_103] : memref<8x200x64xf32, #tpu.memory_space<vmem>> -> memref<1x100x64xf32, #tpu.memory_space<vmem>>
      %dma_start3A_105 = tpu.memref_squeeze %dma_start3A_104 : memref<1x100x64xf32, #tpu.memory_space<vmem>> -> memref<100x64xf32, #tpu.memory_space<vmem>>
      %dma_start3A_106 = arith.constant 0 : i32
      %dma_start3A_107 = tpu.memref_slice %arg6[%dma_start3A_100, %dma_start3A_106] : memref<16x100xi32, #tpu.memory_space<vmem>> -> memref<1x100xi32, #tpu.memory_space<vmem>>
      %dma_start3A_108 = tpu.memref_squeeze %dma_start3A_107 : memref<1x100xi32, #tpu.memory_space<vmem>> -> memref<100xi32, #tpu.memory_space<vmem>>
      %dma_start3A_109 = arith.constant 0 : i32
      %dma_start3A_110 = arith.constant 0 : i32
      %dma_start3A_111 = tpu.memref_slice %arg2[%dma_start3A_109, %dma_start3A_110] : memref<1000000x64xf32, #tpu.memory_space<hbm>> -> memref<1000000x64xf32, #tpu.memory_space<hbm>>
      tpu.enqueue_indirect_dma source(%dma_start3A_111 : memref<1000000x64xf32, #tpu.memory_space<hbm>>) target(%dma_start3A_105 : memref<100x64xf32, #tpu.memory_space<vmem>>) offsets(%dma_start3A_108 : memref<100xi32, #tpu.memory_space<vmem>>) semaphore(%arg9 : memref<!tpu.dma_semaphore, #tpu.memory_space<semaphore_mem>>)
      %dma_start3A_112 = arith.constant 7 : i32
      %dma_start3A_113 = arith.constant 3 : i32
      %dma_start3A_114 = arith.constant 100 : i32
      %dma_start3A_115 = arith.constant 0 : i32
      %dma_start3A_116 = tpu.memref_slice %arg7[%dma_start3A_113, %dma_start3A_114, %dma_start3A_115] : memref<8x200x64xf32, #tpu.memory_space<vmem>> -> memref<1x100x64xf32, #tpu.memory_space<vmem>>
      %dma_start3A_117 = tpu.memref_squeeze %dma_start3A_116 : memref<1x100x64xf32, #tpu.memory_space<vmem>> -> memref<100x64xf32, #tpu.memory_space<vmem>>
      %dma_start3A_118 = arith.constant 0 : i32
      %dma_start3A_119 = tpu.memref_slice %arg6[%dma_start3A_112, %dma_start3A_118] : memref<16x100xi32, #tpu.memory_space<vmem>> -> memref<1x100xi32, #tpu.memory_space<vmem>>
      %dma_start3A_120 = tpu.memref_squeeze %dma_start3A_119 : memref<1x100xi32, #tpu.memory_space<vmem>> -> memref<100xi32, #tpu.memory_space<vmem>>
      %dma_start3A_121 = arith.constant 0 : i32
      %dma_start3A_122 = arith.constant 0 : i32
      %dma_start3A_123 = tpu.memref_slice %arg2[%dma_start3A_121, %dma_start3A_122] : memref<1000000x64xf32, #tpu.memory_space<hbm>> -> memref<1000000x64xf32, #tpu.memory_space<hbm>>
      tpu.enqueue_indirect_dma source(%dma_start3A_123 : memref<1000000x64xf32, #tpu.memory_space<hbm>>) target(%dma_start3A_117 : memref<100x64xf32, #tpu.memory_space<vmem>>) offsets(%dma_start3A_120 : memref<100xi32, #tpu.memory_space<vmem>>) semaphore(%arg9 : memref<!tpu.dma_semaphore, #tpu.memory_space<semaphore_mem>>)
      %dma_start3A_124 = arith.constant 8 : i32
      %dma_start3A_125 = arith.constant 4 : i32
      %dma_start3A_126 = arith.constant 0 : i32
      %dma_start3A_127 = arith.constant 0 : i32
      %dma_start3A_128 = tpu.memref_slice %arg7[%dma_start3A_125, %dma_start3A_126, %dma_start3A_127] : memref<8x200x64xf32, #tpu.memory_space<vmem>> -> memref<1x100x64xf32, #tpu.memory_space<vmem>>
      %dma_start3A_129 = tpu.memref_squeeze %dma_start3A_128 : memref<1x100x64xf32, #tpu.memory_space<vmem>> -> memref<100x64xf32, #tpu.memory_space<vmem>>
      %dma_start3A_130 = arith.constant 0 : i32
      %dma_start3A_131 = tpu.memref_slice %arg6[%dma_start3A_124, %dma_start3A_130] : memref<16x100xi32, #tpu.memory_space<vmem>> -> memref<1x100xi32, #tpu.memory_space<vmem>>
      %dma_start3A_132 = tpu.memref_squeeze %dma_start3A_131 : memref<1x100xi32, #tpu.memory_space<vmem>> -> memref<100xi32, #tpu.memory_space<vmem>>
      %dma_start3A_133 = arith.constant 0 : i32
      %dma_start3A_134 = arith.constant 0 : i32
      %dma_start3A_135 = tpu.memref_slice %arg2[%dma_start3A_133, %dma_start3A_134] : memref<1000000x64xf32, #tpu.memory_space<hbm>> -> memref<1000000x64xf32, #tpu.memory_space<hbm>>
      tpu.enqueue_indirect_dma source(%dma_start3A_135 : memref<1000000x64xf32, #tpu.memory_space<hbm>>) target(%dma_start3A_129 : memref<100x64xf32, #tpu.memory_space<vmem>>) offsets(%dma_start3A_132 : memref<100xi32, #tpu.memory_space<vmem>>) semaphore(%arg9 : memref<!tpu.dma_semaphore, #tpu.memory_space<semaphore_mem>>)
      %dma_start3A_136 = arith.constant 9 : i32
      %dma_start3A_137 = arith.constant 4 : i32
      %dma_start3A_138 = arith.constant 100 : i32
      %dma_start3A_139 = arith.constant 0 : i32
      %dma_start3A_140 = tpu.memref_slice %arg7[%dma_start3A_137, %dma_start3A_138, %dma_start3A_139] : memref<8x200x64xf32, #tpu.memory_space<vmem>> -> memref<1x100x64xf32, #tpu.memory_space<vmem>>
      %dma_start3A_141 = tpu.memref_squeeze %dma_start3A_140 : memref<1x100x64xf32, #tpu.memory_space<vmem>> -> memref<100x64xf32, #tpu.memory_space<vmem>>
      %dma_start3A_142 = arith.constant 0 : i32
      %dma_start3A_143 = tpu.memref_slice %arg6[%dma_start3A_136, %dma_start3A_142] : memref<16x100xi32, #tpu.memory_space<vmem>> -> memref<1x100xi32, #tpu.memory_space<vmem>>
      %dma_start3A_144 = tpu.memref_squeeze %dma_start3A_143 : memref<1x100xi32, #tpu.memory_space<vmem>> -> memref<100xi32, #tpu.memory_space<vmem>>
      %dma_start3A_145 = arith.constant 0 : i32
      %dma_start3A_146 = arith.constant 0 : i32
      %dma_start3A_147 = tpu.memref_slice %arg2[%dma_start3A_145, %dma_start3A_146] : memref<1000000x64xf32, #tpu.memory_space<hbm>> -> memref<1000000x64xf32, #tpu.memory_space<hbm>>
      tpu.enqueue_indirect_dma source(%dma_start3A_147 : memref<1000000x64xf32, #tpu.memory_space<hbm>>) target(%dma_start3A_141 : memref<100x64xf32, #tpu.memory_space<vmem>>) offsets(%dma_start3A_144 : memref<100xi32, #tpu.memory_space<vmem>>) semaphore(%arg9 : memref<!tpu.dma_semaphore, #tpu.memory_space<semaphore_mem>>)
      %dma_start3A_148 = arith.constant 10 : i32
      %dma_start3A_149 = arith.constant 5 : i32
      %dma_start3A_150 = arith.constant 0 : i32
      %dma_start3A_151 = arith.constant 0 : i32
      %dma_start3A_152 = tpu.memref_slice %arg7[%dma_start3A_149, %dma_start3A_150, %dma_start3A_151] : memref<8x200x64xf32, #tpu.memory_space<vmem>> -> memref<1x100x64xf32, #tpu.memory_space<vmem>>
      %dma_start3A_153 = tpu.memref_squeeze %dma_start3A_152 : memref<1x100x64xf32, #tpu.memory_space<vmem>> -> memref<100x64xf32, #tpu.memory_space<vmem>>
      %dma_start3A_154 = arith.constant 0 : i32
      %dma_start3A_155 = tpu.memref_slice %arg6[%dma_start3A_148, %dma_start3A_154] : memref<16x100xi32, #tpu.memory_space<vmem>> -> memref<1x100xi32, #tpu.memory_space<vmem>>
      %dma_start3A_156 = tpu.memref_squeeze %dma_start3A_155 : memref<1x100xi32, #tpu.memory_space<vmem>> -> memref<100xi32, #tpu.memory_space<vmem>>
      %dma_start3A_157 = arith.constant 0 : i32
      %dma_start3A_158 = arith.constant 0 : i32
      %dma_start3A_159 = tpu.memref_slice %arg2[%dma_start3A_157, %dma_start3A_158] : memref<1000000x64xf32, #tpu.memory_space<hbm>> -> memref<1000000x64xf32, #tpu.memory_space<hbm>>
      tpu.enqueue_indirect_dma source(%dma_start3A_159 : memref<1000000x64xf32, #tpu.memory_space<hbm>>) target(%dma_start3A_153 : memref<100x64xf32, #tpu.memory_space<vmem>>) offsets(%dma_start3A_156 : memref<100xi32, #tpu.memory_space<vmem>>) semaphore(%arg9 : memref<!tpu.dma_semaphore, #tpu.memory_space<semaphore_mem>>)
      %dma_start3A_160 = arith.constant 11 : i32
      %dma_start3A_161 = arith.constant 5 : i32
      %dma_start3A_162 = arith.constant 100 : i32
      %dma_start3A_163 = arith.constant 0 : i32
      %dma_start3A_164 = tpu.memref_slice %arg7[%dma_start3A_161, %dma_start3A_162, %dma_start3A_163] : memref<8x200x64xf32, #tpu.memory_space<vmem>> -> memref<1x100x64xf32, #tpu.memory_space<vmem>>
      %dma_start3A_165 = tpu.memref_squeeze %dma_start3A_164 : memref<1x100x64xf32, #tpu.memory_space<vmem>> -> memref<100x64xf32, #tpu.memory_space<vmem>>
      %dma_start3A_166 = arith.constant 0 : i32
      %dma_start3A_167 = tpu.memref_slice %arg6[%dma_start3A_160, %dma_start3A_166] : memref<16x100xi32, #tpu.memory_space<vmem>> -> memref<1x100xi32, #tpu.memory_space<vmem>>
      %dma_start3A_168 = tpu.memref_squeeze %dma_start3A_167 : memref<1x100xi32, #tpu.memory_space<vmem>> -> memref<100xi32, #tpu.memory_space<vmem>>
      %dma_start3A_169 = arith.constant 0 : i32
      %dma_start3A_170 = arith.constant 0 : i32
      %dma_start3A_171 = tpu.memref_slice %arg2[%dma_start3A_169, %dma_start3A_170] : memref<1000000x64xf32, #tpu.memory_space<hbm>> -> memref<1000000x64xf32, #tpu.memory_space<hbm>>
      tpu.enqueue_indirect_dma source(%dma_start3A_171 : memref<1000000x64xf32, #tpu.memory_space<hbm>>) target(%dma_start3A_165 : memref<100x64xf32, #tpu.memory_space<vmem>>) offsets(%dma_start3A_168 : memref<100xi32, #tpu.memory_space<vmem>>) semaphore(%arg9 : memref<!tpu.dma_semaphore, #tpu.memory_space<semaphore_mem>>)
      %dma_start3A_172 = arith.constant 12 : i32
      %dma_start3A_173 = arith.constant 6 : i32
      %dma_start3A_174 = arith.constant 0 : i32
      %dma_start3A_175 = arith.constant 0 : i32
      %dma_start3A_176 = tpu.memref_slice %arg7[%dma_start3A_173, %dma_start3A_174, %dma_start3A_175] : memref<8x200x64xf32, #tpu.memory_space<vmem>> -> memref<1x100x64xf32, #tpu.memory_space<vmem>>
      %dma_start3A_177 = tpu.memref_squeeze %dma_start3A_176 : memref<1x100x64xf32, #tpu.memory_space<vmem>> -> memref<100x64xf32, #tpu.memory_space<vmem>>
      %dma_start3A_178 = arith.constant 0 : i32
      %dma_start3A_179 = tpu.memref_slice %arg6[%dma_start3A_172, %dma_start3A_178] : memref<16x100xi32, #tpu.memory_space<vmem>> -> memref<1x100xi32, #tpu.memory_space<vmem>>
      %dma_start3A_180 = tpu.memref_squeeze %dma_start3A_179 : memref<1x100xi32, #tpu.memory_space<vmem>> -> memref<100xi32, #tpu.memory_space<vmem>>
      %dma_start3A_181 = arith.constant 0 : i32
      %dma_start3A_182 = arith.constant 0 : i32
      %dma_start3A_183 = tpu.memref_slice %arg2[%dma_start3A_181, %dma_start3A_182] : memref<1000000x64xf32, #tpu.memory_space<hbm>> -> memref<1000000x64xf32, #tpu.memory_space<hbm>>
      tpu.enqueue_indirect_dma source(%dma_start3A_183 : memref<1000000x64xf32, #tpu.memory_space<hbm>>) target(%dma_start3A_177 : memref<100x64xf32, #tpu.memory_space<vmem>>) offsets(%dma_start3A_180 : memref<100xi32, #tpu.memory_space<vmem>>) semaphore(%arg9 : memref<!tpu.dma_semaphore, #tpu.memory_space<semaphore_mem>>)
      %dma_start3A_184 = arith.constant 13 : i32
      %dma_start3A_185 = arith.constant 6 : i32
      %dma_start3A_186 = arith.constant 100 : i32
      %dma_start3A_187 = arith.constant 0 : i32
      %dma_start3A_188 = tpu.memref_slice %arg7[%dma_start3A_185, %dma_start3A_186, %dma_start3A_187] : memref<8x200x64xf32, #tpu.memory_space<vmem>> -> memref<1x100x64xf32, #tpu.memory_space<vmem>>
      %dma_start3A_189 = tpu.memref_squeeze %dma_start3A_188 : memref<1x100x64xf32, #tpu.memory_space<vmem>> -> memref<100x64xf32, #tpu.memory_space<vmem>>
      %dma_start3A_190 = arith.constant 0 : i32
      %dma_start3A_191 = tpu.memref_slice %arg6[%dma_start3A_184, %dma_start3A_190] : memref<16x100xi32, #tpu.memory_space<vmem>> -> memref<1x100xi32, #tpu.memory_space<vmem>>
      %dma_start3A_192 = tpu.memref_squeeze %dma_start3A_191 : memref<1x100xi32, #tpu.memory_space<vmem>> -> memref<100xi32, #tpu.memory_space<vmem>>
      %dma_start3A_193 = arith.constant 0 : i32
      %dma_start3A_194 = arith.constant 0 : i32
      %dma_start3A_195 = tpu.memref_slice %arg2[%dma_start3A_193, %dma_start3A_194] : memref<1000000x64xf32, #tpu.memory_space<hbm>> -> memref<1000000x64xf32, #tpu.memory_space<hbm>>
      tpu.enqueue_indirect_dma source(%dma_start3A_195 : memref<1000000x64xf32, #tpu.memory_space<hbm>>) target(%dma_start3A_189 : memref<100x64xf32, #tpu.memory_space<vmem>>) offsets(%dma_start3A_192 : memref<100xi32, #tpu.memory_space<vmem>>) semaphore(%arg9 : memref<!tpu.dma_semaphore, #tpu.memory_space<semaphore_mem>>)
      %dma_start3A_196 = arith.constant 14 : i32
      %dma_start3A_197 = arith.constant 7 : i32
      %dma_start3A_198 = arith.constant 0 : i32
      %dma_start3A_199 = arith.constant 0 : i32
      %dma_start3A_200 = tpu.memref_slice %arg7[%dma_start3A_197, %dma_start3A_198, %dma_start3A_199] : memref<8x200x64xf32, #tpu.memory_space<vmem>> -> memref<1x100x64xf32, #tpu.memory_space<vmem>>
      %dma_start3A_201 = tpu.memref_squeeze %dma_start3A_200 : memref<1x100x64xf32, #tpu.memory_space<vmem>> -> memref<100x64xf32, #tpu.memory_space<vmem>>
      %dma_start3A_202 = arith.constant 0 : i32
      %dma_start3A_203 = tpu.memref_slice %arg6[%dma_start3A_196, %dma_start3A_202] : memref<16x100xi32, #tpu.memory_space<vmem>> -> memref<1x100xi32, #tpu.memory_space<vmem>>
      %dma_start3A_204 = tpu.memref_squeeze %dma_start3A_203 : memref<1x100xi32, #tpu.memory_space<vmem>> -> memref<100xi32, #tpu.memory_space<vmem>>
      %dma_start3A_205 = arith.constant 0 : i32
      %dma_start3A_206 = arith.constant 0 : i32
      %dma_start3A_207 = tpu.memref_slice %arg2[%dma_start3A_205, %dma_start3A_206] : memref<1000000x64xf32, #tpu.memory_space<hbm>> -> memref<1000000x64xf32, #tpu.memory_space<hbm>>
      tpu.enqueue_indirect_dma source(%dma_start3A_207 : memref<1000000x64xf32, #tpu.memory_space<hbm>>) target(%dma_start3A_201 : memref<100x64xf32, #tpu.memory_space<vmem>>) offsets(%dma_start3A_204 : memref<100xi32, #tpu.memory_space<vmem>>) semaphore(%arg9 : memref<!tpu.dma_semaphore, #tpu.memory_space<semaphore_mem>>)
      %dma_start3A_208 = arith.constant 15 : i32
      %dma_start3A_209 = arith.constant 7 : i32
      %dma_start3A_210 = arith.constant 100 : i32
      %dma_start3A_211 = arith.constant 0 : i32
      %dma_start3A_212 = tpu.memref_slice %arg7[%dma_start3A_209, %dma_start3A_210, %dma_start3A_211] : memref<8x200x64xf32, #tpu.memory_space<vmem>> -> memref<1x100x64xf32, #tpu.memory_space<vmem>>
      %dma_start3A_213 = tpu.memref_squeeze %dma_start3A_212 : memref<1x100x64xf32, #tpu.memory_space<vmem>> -> memref<100x64xf32, #tpu.memory_space<vmem>>
      %dma_start3A_214 = arith.constant 0 : i32
      %dma_start3A_215 = tpu.memref_slice %arg6[%dma_start3A_208, %dma_start3A_214] : memref<16x100xi32, #tpu.memory_space<vmem>> -> memref<1x100xi32, #tpu.memory_space<vmem>>
      %dma_start3A_216 = tpu.memref_squeeze %dma_start3A_215 : memref<1x100xi32, #tpu.memory_space<vmem>> -> memref<100xi32, #tpu.memory_space<vmem>>
      %dma_start3A_217 = arith.constant 0 : i32
      %dma_start3A_218 = arith.constant 0 : i32
      %dma_start3A_219 = tpu.memref_slice %arg2[%dma_start3A_217, %dma_start3A_218] : memref<1000000x64xf32, #tpu.memory_space<hbm>> -> memref<1000000x64xf32, #tpu.memory_space<hbm>>
      tpu.enqueue_indirect_dma source(%dma_start3A_219 : memref<1000000x64xf32, #tpu.memory_space<hbm>>) target(%dma_start3A_213 : memref<100x64xf32, #tpu.memory_space<vmem>>) offsets(%dma_start3A_216 : memref<100xi32, #tpu.memory_space<vmem>>) semaphore(%arg9 : memref<!tpu.dma_semaphore, #tpu.memory_space<semaphore_mem>>)
      %dma_wait3A = arith.constant 0 : i32
      %dma_wait3A_220 = arith.constant 0 : i32
      %dma_wait3A_221 = arith.constant 0 : i32
      %dma_wait3A_222 = arith.constant 0 : i32
      %dma_wait3A_223 = tpu.memref_slice %arg7[%dma_wait3A_220, %dma_wait3A_221, %dma_wait3A_222] : memref<8x200x64xf32, #tpu.memory_space<vmem>> -> memref<1x100x64xf32, #tpu.memory_space<vmem>>
      %dma_wait3A_224 = tpu.memref_squeeze %dma_wait3A_223 : memref<1x100x64xf32, #tpu.memory_space<vmem>> -> memref<100x64xf32, #tpu.memory_space<vmem>>
      %dma_wait3A_225 = arith.constant 0 : i32
      %dma_wait3A_226 = tpu.memref_slice %arg6[%dma_wait3A, %dma_wait3A_225] : memref<16x100xi32, #tpu.memory_space<vmem>> -> memref<1x100xi32, #tpu.memory_space<vmem>>
      %dma_wait3A_227 = tpu.memref_squeeze %dma_wait3A_226 : memref<1x100xi32, #tpu.memory_space<vmem>> -> memref<100xi32, #tpu.memory_space<vmem>>
      %dma_wait3A_228 = arith.constant 0 : i32
      %dma_wait3A_229 = arith.constant 0 : i32
      %dma_wait3A_230 = tpu.memref_slice %arg2[%dma_wait3A_228, %dma_wait3A_229] : memref<1000000x64xf32, #tpu.memory_space<hbm>> -> memref<1000000x64xf32, #tpu.memory_space<hbm>>
      tpu.wait_indirect_dma semaphore(%arg9 : memref<!tpu.dma_semaphore, #tpu.memory_space<semaphore_mem>>) src(%dma_wait3A_230 : memref<1000000x64xf32, #tpu.memory_space<hbm>>) dst(%dma_wait3A_224 : memref<100x64xf32, #tpu.memory_space<vmem>>)
      %dma_wait3A_231 = arith.constant 1 : i32
      %dma_wait3A_232 = arith.constant 0 : i32
      %dma_wait3A_233 = arith.constant 100 : i32
      %dma_wait3A_234 = arith.constant 0 : i32
      %dma_wait3A_235 = tpu.memref_slice %arg7[%dma_wait3A_232, %dma_wait3A_233, %dma_wait3A_234] : memref<8x200x64xf32, #tpu.memory_space<vmem>> -> memref<1x100x64xf32, #tpu.memory_space<vmem>>
      %dma_wait3A_236 = tpu.memref_squeeze %dma_wait3A_235 : memref<1x100x64xf32, #tpu.memory_space<vmem>> -> memref<100x64xf32, #tpu.memory_space<vmem>>
      %dma_wait3A_237 = arith.constant 0 : i32
      %dma_wait3A_238 = tpu.memref_slice %arg6[%dma_wait3A_231, %dma_wait3A_237] : memref<16x100xi32, #tpu.memory_space<vmem>> -> memref<1x100xi32, #tpu.memory_space<vmem>>
      %dma_wait3A_239 = tpu.memref_squeeze %dma_wait3A_238 : memref<1x100xi32, #tpu.memory_space<vmem>> -> memref<100xi32, #tpu.memory_space<vmem>>
      %dma_wait3A_240 = arith.constant 0 : i32
      %dma_wait3A_241 = arith.constant 0 : i32
      %dma_wait3A_242 = tpu.memref_slice %arg2[%dma_wait3A_240, %dma_wait3A_241] : memref<1000000x64xf32, #tpu.memory_space<hbm>> -> memref<1000000x64xf32, #tpu.memory_space<hbm>>
      tpu.wait_indirect_dma semaphore(%arg9 : memref<!tpu.dma_semaphore, #tpu.memory_space<semaphore_mem>>) src(%dma_wait3A_242 : memref<1000000x64xf32, #tpu.memory_space<hbm>>) dst(%dma_wait3A_236 : memref<100x64xf32, #tpu.memory_space<vmem>>)
      %dma_wait3A_243 = arith.constant 2 : i32
      %dma_wait3A_244 = arith.constant 1 : i32
      %dma_wait3A_245 = arith.constant 0 : i32
      %dma_wait3A_246 = arith.constant 0 : i32
      %dma_wait3A_247 = tpu.memref_slice %arg7[%dma_wait3A_244, %dma_wait3A_245, %dma_wait3A_246] : memref<8x200x64xf32, #tpu.memory_space<vmem>> -> memref<1x100x64xf32, #tpu.memory_space<vmem>>
      %dma_wait3A_248 = tpu.memref_squeeze %dma_wait3A_247 : memref<1x100x64xf32, #tpu.memory_space<vmem>> -> memref<100x64xf32, #tpu.memory_space<vmem>>
      %dma_wait3A_249 = arith.constant 0 : i32
      %dma_wait3A_250 = tpu.memref_slice %arg6[%dma_wait3A_243, %dma_wait3A_249] : memref<16x100xi32, #tpu.memory_space<vmem>> -> memref<1x100xi32, #tpu.memory_space<vmem>>
      %dma_wait3A_251 = tpu.memref_squeeze %dma_wait3A_250 : memref<1x100xi32, #tpu.memory_space<vmem>> -> memref<100xi32, #tpu.memory_space<vmem>>
      %dma_wait3A_252 = arith.constant 0 : i32
      %dma_wait3A_253 = arith.constant 0 : i32
      %dma_wait3A_254 = tpu.memref_slice %arg2[%dma_wait3A_252, %dma_wait3A_253] : memref<1000000x64xf32, #tpu.memory_space<hbm>> -> memref<1000000x64xf32, #tpu.memory_space<hbm>>
      tpu.wait_indirect_dma semaphore(%arg9 : memref<!tpu.dma_semaphore, #tpu.memory_space<semaphore_mem>>) src(%dma_wait3A_254 : memref<1000000x64xf32, #tpu.memory_space<hbm>>) dst(%dma_wait3A_248 : memref<100x64xf32, #tpu.memory_space<vmem>>)
      %dma_wait3A_255 = arith.constant 3 : i32
      %dma_wait3A_256 = arith.constant 1 : i32
      %dma_wait3A_257 = arith.constant 100 : i32
      %dma_wait3A_258 = arith.constant 0 : i32
      %dma_wait3A_259 = tpu.memref_slice %arg7[%dma_wait3A_256, %dma_wait3A_257, %dma_wait3A_258] : memref<8x200x64xf32, #tpu.memory_space<vmem>> -> memref<1x100x64xf32, #tpu.memory_space<vmem>>
      %dma_wait3A_260 = tpu.memref_squeeze %dma_wait3A_259 : memref<1x100x64xf32, #tpu.memory_space<vmem>> -> memref<100x64xf32, #tpu.memory_space<vmem>>
      %dma_wait3A_261 = arith.constant 0 : i32
      %dma_wait3A_262 = tpu.memref_slice %arg6[%dma_wait3A_255, %dma_wait3A_261] : memref<16x100xi32, #tpu.memory_space<vmem>> -> memref<1x100xi32, #tpu.memory_space<vmem>>
      %dma_wait3A_263 = tpu.memref_squeeze %dma_wait3A_262 : memref<1x100xi32, #tpu.memory_space<vmem>> -> memref<100xi32, #tpu.memory_space<vmem>>
      %dma_wait3A_264 = arith.constant 0 : i32
      %dma_wait3A_265 = arith.constant 0 : i32
      %dma_wait3A_266 = tpu.memref_slice %arg2[%dma_wait3A_264, %dma_wait3A_265] : memref<1000000x64xf32, #tpu.memory_space<hbm>> -> memref<1000000x64xf32, #tpu.memory_space<hbm>>
      tpu.wait_indirect_dma semaphore(%arg9 : memref<!tpu.dma_semaphore, #tpu.memory_space<semaphore_mem>>) src(%dma_wait3A_266 : memref<1000000x64xf32, #tpu.memory_space<hbm>>) dst(%dma_wait3A_260 : memref<100x64xf32, #tpu.memory_space<vmem>>)
      %dma_wait3A_267 = arith.constant 4 : i32
      %dma_wait3A_268 = arith.constant 2 : i32
      %dma_wait3A_269 = arith.constant 0 : i32
      %dma_wait3A_270 = arith.constant 0 : i32
      %dma_wait3A_271 = tpu.memref_slice %arg7[%dma_wait3A_268, %dma_wait3A_269, %dma_wait3A_270] : memref<8x200x64xf32, #tpu.memory_space<vmem>> -> memref<1x100x64xf32, #tpu.memory_space<vmem>>
      %dma_wait3A_272 = tpu.memref_squeeze %dma_wait3A_271 : memref<1x100x64xf32, #tpu.memory_space<vmem>> -> memref<100x64xf32, #tpu.memory_space<vmem>>
      %dma_wait3A_273 = arith.constant 0 : i32
      %dma_wait3A_274 = tpu.memref_slice %arg6[%dma_wait3A_267, %dma_wait3A_273] : memref<16x100xi32, #tpu.memory_space<vmem>> -> memref<1x100xi32, #tpu.memory_space<vmem>>
      %dma_wait3A_275 = tpu.memref_squeeze %dma_wait3A_274 : memref<1x100xi32, #tpu.memory_space<vmem>> -> memref<100xi32, #tpu.memory_space<vmem>>
      %dma_wait3A_276 = arith.constant 0 : i32
      %dma_wait3A_277 = arith.constant 0 : i32
      %dma_wait3A_278 = tpu.memref_slice %arg2[%dma_wait3A_276, %dma_wait3A_277] : memref<1000000x64xf32, #tpu.memory_space<hbm>> -> memref<1000000x64xf32, #tpu.memory_space<hbm>>
      tpu.wait_indirect_dma semaphore(%arg9 : memref<!tpu.dma_semaphore, #tpu.memory_space<semaphore_mem>>) src(%dma_wait3A_278 : memref<1000000x64xf32, #tpu.memory_space<hbm>>) dst(%dma_wait3A_272 : memref<100x64xf32, #tpu.memory_space<vmem>>)
      %dma_wait3A_279 = arith.constant 5 : i32
      %dma_wait3A_280 = arith.constant 2 : i32
      %dma_wait3A_281 = arith.constant 100 : i32
      %dma_wait3A_282 = arith.constant 0 : i32
      %dma_wait3A_283 = tpu.memref_slice %arg7[%dma_wait3A_280, %dma_wait3A_281, %dma_wait3A_282] : memref<8x200x64xf32, #tpu.memory_space<vmem>> -> memref<1x100x64xf32, #tpu.memory_space<vmem>>
      %dma_wait3A_284 = tpu.memref_squeeze %dma_wait3A_283 : memref<1x100x64xf32, #tpu.memory_space<vmem>> -> memref<100x64xf32, #tpu.memory_space<vmem>>
      %dma_wait3A_285 = arith.constant 0 : i32
      %dma_wait3A_286 = tpu.memref_slice %arg6[%dma_wait3A_279, %dma_wait3A_285] : memref<16x100xi32, #tpu.memory_space<vmem>> -> memref<1x100xi32, #tpu.memory_space<vmem>>
      %dma_wait3A_287 = tpu.memref_squeeze %dma_wait3A_286 : memref<1x100xi32, #tpu.memory_space<vmem>> -> memref<100xi32, #tpu.memory_space<vmem>>
      %dma_wait3A_288 = arith.constant 0 : i32
      %dma_wait3A_289 = arith.constant 0 : i32
      %dma_wait3A_290 = tpu.memref_slice %arg2[%dma_wait3A_288, %dma_wait3A_289] : memref<1000000x64xf32, #tpu.memory_space<hbm>> -> memref<1000000x64xf32, #tpu.memory_space<hbm>>
      tpu.wait_indirect_dma semaphore(%arg9 : memref<!tpu.dma_semaphore, #tpu.memory_space<semaphore_mem>>) src(%dma_wait3A_290 : memref<1000000x64xf32, #tpu.memory_space<hbm>>) dst(%dma_wait3A_284 : memref<100x64xf32, #tpu.memory_space<vmem>>)
      %dma_wait3A_291 = arith.constant 6 : i32
      %dma_wait3A_292 = arith.constant 3 : i32
      %dma_wait3A_293 = arith.constant 0 : i32
      %dma_wait3A_294 = arith.constant 0 : i32
      %dma_wait3A_295 = tpu.memref_slice %arg7[%dma_wait3A_292, %dma_wait3A_293, %dma_wait3A_294] : memref<8x200x64xf32, #tpu.memory_space<vmem>> -> memref<1x100x64xf32, #tpu.memory_space<vmem>>
      %dma_wait3A_296 = tpu.memref_squeeze %dma_wait3A_295 : memref<1x100x64xf32, #tpu.memory_space<vmem>> -> memref<100x64xf32, #tpu.memory_space<vmem>>
      %dma_wait3A_297 = arith.constant 0 : i32
      %dma_wait3A_298 = tpu.memref_slice %arg6[%dma_wait3A_291, %dma_wait3A_297] : memref<16x100xi32, #tpu.memory_space<vmem>> -> memref<1x100xi32, #tpu.memory_space<vmem>>
      %dma_wait3A_299 = tpu.memref_squeeze %dma_wait3A_298 : memref<1x100xi32, #tpu.memory_space<vmem>> -> memref<100xi32, #tpu.memory_space<vmem>>
      %dma_wait3A_300 = arith.constant 0 : i32
      %dma_wait3A_301 = arith.constant 0 : i32
      %dma_wait3A_302 = tpu.memref_slice %arg2[%dma_wait3A_300, %dma_wait3A_301] : memref<1000000x64xf32, #tpu.memory_space<hbm>> -> memref<1000000x64xf32, #tpu.memory_space<hbm>>
      tpu.wait_indirect_dma semaphore(%arg9 : memref<!tpu.dma_semaphore, #tpu.memory_space<semaphore_mem>>) src(%dma_wait3A_302 : memref<1000000x64xf32, #tpu.memory_space<hbm>>) dst(%dma_wait3A_296 : memref<100x64xf32, #tpu.memory_space<vmem>>)
      %dma_wait3A_303 = arith.constant 7 : i32
      %dma_wait3A_304 = arith.constant 3 : i32
      %dma_wait3A_305 = arith.constant 100 : i32
      %dma_wait3A_306 = arith.constant 0 : i32
      %dma_wait3A_307 = tpu.memref_slice %arg7[%dma_wait3A_304, %dma_wait3A_305, %dma_wait3A_306] : memref<8x200x64xf32, #tpu.memory_space<vmem>> -> memref<1x100x64xf32, #tpu.memory_space<vmem>>
      %dma_wait3A_308 = tpu.memref_squeeze %dma_wait3A_307 : memref<1x100x64xf32, #tpu.memory_space<vmem>> -> memref<100x64xf32, #tpu.memory_space<vmem>>
      %dma_wait3A_309 = arith.constant 0 : i32
      %dma_wait3A_310 = tpu.memref_slice %arg6[%dma_wait3A_303, %dma_wait3A_309] : memref<16x100xi32, #tpu.memory_space<vmem>> -> memref<1x100xi32, #tpu.memory_space<vmem>>
      %dma_wait3A_311 = tpu.memref_squeeze %dma_wait3A_310 : memref<1x100xi32, #tpu.memory_space<vmem>> -> memref<100xi32, #tpu.memory_space<vmem>>
      %dma_wait3A_312 = arith.constant 0 : i32
      %dma_wait3A_313 = arith.constant 0 : i32
      %dma_wait3A_314 = tpu.memref_slice %arg2[%dma_wait3A_312, %dma_wait3A_313] : memref<1000000x64xf32, #tpu.memory_space<hbm>> -> memref<1000000x64xf32, #tpu.memory_space<hbm>>
      tpu.wait_indirect_dma semaphore(%arg9 : memref<!tpu.dma_semaphore, #tpu.memory_space<semaphore_mem>>) src(%dma_wait3A_314 : memref<1000000x64xf32, #tpu.memory_space<hbm>>) dst(%dma_wait3A_308 : memref<100x64xf32, #tpu.memory_space<vmem>>)
      %dma_wait3A_315 = arith.constant 8 : i32
      %dma_wait3A_316 = arith.constant 4 : i32
      %dma_wait3A_317 = arith.constant 0 : i32
      %dma_wait3A_318 = arith.constant 0 : i32
      %dma_wait3A_319 = tpu.memref_slice %arg7[%dma_wait3A_316, %dma_wait3A_317, %dma_wait3A_318] : memref<8x200x64xf32, #tpu.memory_space<vmem>> -> memref<1x100x64xf32, #tpu.memory_space<vmem>>
      %dma_wait3A_320 = tpu.memref_squeeze %dma_wait3A_319 : memref<1x100x64xf32, #tpu.memory_space<vmem>> -> memref<100x64xf32, #tpu.memory_space<vmem>>
      %dma_wait3A_321 = arith.constant 0 : i32
      %dma_wait3A_322 = tpu.memref_slice %arg6[%dma_wait3A_315, %dma_wait3A_321] : memref<16x100xi32, #tpu.memory_space<vmem>> -> memref<1x100xi32, #tpu.memory_space<vmem>>
      %dma_wait3A_323 = tpu.memref_squeeze %dma_wait3A_322 : memref<1x100xi32, #tpu.memory_space<vmem>> -> memref<100xi32, #tpu.memory_space<vmem>>
      %dma_wait3A_324 = arith.constant 0 : i32
      %dma_wait3A_325 = arith.constant 0 : i32
      %dma_wait3A_326 = tpu.memref_slice %arg2[%dma_wait3A_324, %dma_wait3A_325] : memref<1000000x64xf32, #tpu.memory_space<hbm>> -> memref<1000000x64xf32, #tpu.memory_space<hbm>>
      tpu.wait_indirect_dma semaphore(%arg9 : memref<!tpu.dma_semaphore, #tpu.memory_space<semaphore_mem>>) src(%dma_wait3A_326 : memref<1000000x64xf32, #tpu.memory_space<hbm>>) dst(%dma_wait3A_320 : memref<100x64xf32, #tpu.memory_space<vmem>>)
      %dma_wait3A_327 = arith.constant 9 : i32
      %dma_wait3A_328 = arith.constant 4 : i32
      %dma_wait3A_329 = arith.constant 100 : i32
      %dma_wait3A_330 = arith.constant 0 : i32
      %dma_wait3A_331 = tpu.memref_slice %arg7[%dma_wait3A_328, %dma_wait3A_329, %dma_wait3A_330] : memref<8x200x64xf32, #tpu.memory_space<vmem>> -> memref<1x100x64xf32, #tpu.memory_space<vmem>>
      %dma_wait3A_332 = tpu.memref_squeeze %dma_wait3A_331 : memref<1x100x64xf32, #tpu.memory_space<vmem>> -> memref<100x64xf32, #tpu.memory_space<vmem>>
      %dma_wait3A_333 = arith.constant 0 : i32
      %dma_wait3A_334 = tpu.memref_slice %arg6[%dma_wait3A_327, %dma_wait3A_333] : memref<16x100xi32, #tpu.memory_space<vmem>> -> memref<1x100xi32, #tpu.memory_space<vmem>>
      %dma_wait3A_335 = tpu.memref_squeeze %dma_wait3A_334 : memref<1x100xi32, #tpu.memory_space<vmem>> -> memref<100xi32, #tpu.memory_space<vmem>>
      %dma_wait3A_336 = arith.constant 0 : i32
      %dma_wait3A_337 = arith.constant 0 : i32
      %dma_wait3A_338 = tpu.memref_slice %arg2[%dma_wait3A_336, %dma_wait3A_337] : memref<1000000x64xf32, #tpu.memory_space<hbm>> -> memref<1000000x64xf32, #tpu.memory_space<hbm>>
      tpu.wait_indirect_dma semaphore(%arg9 : memref<!tpu.dma_semaphore, #tpu.memory_space<semaphore_mem>>) src(%dma_wait3A_338 : memref<1000000x64xf32, #tpu.memory_space<hbm>>) dst(%dma_wait3A_332 : memref<100x64xf32, #tpu.memory_space<vmem>>)
      %dma_wait3A_339 = arith.constant 10 : i32
      %dma_wait3A_340 = arith.constant 5 : i32
      %dma_wait3A_341 = arith.constant 0 : i32
      %dma_wait3A_342 = arith.constant 0 : i32
      %dma_wait3A_343 = tpu.memref_slice %arg7[%dma_wait3A_340, %dma_wait3A_341, %dma_wait3A_342] : memref<8x200x64xf32, #tpu.memory_space<vmem>> -> memref<1x100x64xf32, #tpu.memory_space<vmem>>
      %dma_wait3A_344 = tpu.memref_squeeze %dma_wait3A_343 : memref<1x100x64xf32, #tpu.memory_space<vmem>> -> memref<100x64xf32, #tpu.memory_space<vmem>>
      %dma_wait3A_345 = arith.constant 0 : i32
      %dma_wait3A_346 = tpu.memref_slice %arg6[%dma_wait3A_339, %dma_wait3A_345] : memref<16x100xi32, #tpu.memory_space<vmem>> -> memref<1x100xi32, #tpu.memory_space<vmem>>
      %dma_wait3A_347 = tpu.memref_squeeze %dma_wait3A_346 : memref<1x100xi32, #tpu.memory_space<vmem>> -> memref<100xi32, #tpu.memory_space<vmem>>
      %dma_wait3A_348 = arith.constant 0 : i32
      %dma_wait3A_349 = arith.constant 0 : i32
      %dma_wait3A_350 = tpu.memref_slice %arg2[%dma_wait3A_348, %dma_wait3A_349] : memref<1000000x64xf32, #tpu.memory_space<hbm>> -> memref<1000000x64xf32, #tpu.memory_space<hbm>>
      tpu.wait_indirect_dma semaphore(%arg9 : memref<!tpu.dma_semaphore, #tpu.memory_space<semaphore_mem>>) src(%dma_wait3A_350 : memref<1000000x64xf32, #tpu.memory_space<hbm>>) dst(%dma_wait3A_344 : memref<100x64xf32, #tpu.memory_space<vmem>>)
      %dma_wait3A_351 = arith.constant 11 : i32
      %dma_wait3A_352 = arith.constant 5 : i32
      %dma_wait3A_353 = arith.constant 100 : i32
      %dma_wait3A_354 = arith.constant 0 : i32
      %dma_wait3A_355 = tpu.memref_slice %arg7[%dma_wait3A_352, %dma_wait3A_353, %dma_wait3A_354] : memref<8x200x64xf32, #tpu.memory_space<vmem>> -> memref<1x100x64xf32, #tpu.memory_space<vmem>>
      %dma_wait3A_356 = tpu.memref_squeeze %dma_wait3A_355 : memref<1x100x64xf32, #tpu.memory_space<vmem>> -> memref<100x64xf32, #tpu.memory_space<vmem>>
      %dma_wait3A_357 = arith.constant 0 : i32
      %dma_wait3A_358 = tpu.memref_slice %arg6[%dma_wait3A_351, %dma_wait3A_357] : memref<16x100xi32, #tpu.memory_space<vmem>> -> memref<1x100xi32, #tpu.memory_space<vmem>>
      %dma_wait3A_359 = tpu.memref_squeeze %dma_wait3A_358 : memref<1x100xi32, #tpu.memory_space<vmem>> -> memref<100xi32, #tpu.memory_space<vmem>>
      %dma_wait3A_360 = arith.constant 0 : i32
      %dma_wait3A_361 = arith.constant 0 : i32
      %dma_wait3A_362 = tpu.memref_slice %arg2[%dma_wait3A_360, %dma_wait3A_361] : memref<1000000x64xf32, #tpu.memory_space<hbm>> -> memref<1000000x64xf32, #tpu.memory_space<hbm>>
      tpu.wait_indirect_dma semaphore(%arg9 : memref<!tpu.dma_semaphore, #tpu.memory_space<semaphore_mem>>) src(%dma_wait3A_362 : memref<1000000x64xf32, #tpu.memory_space<hbm>>) dst(%dma_wait3A_356 : memref<100x64xf32, #tpu.memory_space<vmem>>)
      %dma_wait3A_363 = arith.constant 12 : i32
      %dma_wait3A_364 = arith.constant 6 : i32
      %dma_wait3A_365 = arith.constant 0 : i32
      %dma_wait3A_366 = arith.constant 0 : i32
      %dma_wait3A_367 = tpu.memref_slice %arg7[%dma_wait3A_364, %dma_wait3A_365, %dma_wait3A_366] : memref<8x200x64xf32, #tpu.memory_space<vmem>> -> memref<1x100x64xf32, #tpu.memory_space<vmem>>
      %dma_wait3A_368 = tpu.memref_squeeze %dma_wait3A_367 : memref<1x100x64xf32, #tpu.memory_space<vmem>> -> memref<100x64xf32, #tpu.memory_space<vmem>>
      %dma_wait3A_369 = arith.constant 0 : i32
      %dma_wait3A_370 = tpu.memref_slice %arg6[%dma_wait3A_363, %dma_wait3A_369] : memref<16x100xi32, #tpu.memory_space<vmem>> -> memref<1x100xi32, #tpu.memory_space<vmem>>
      %dma_wait3A_371 = tpu.memref_squeeze %dma_wait3A_370 : memref<1x100xi32, #tpu.memory_space<vmem>> -> memref<100xi32, #tpu.memory_space<vmem>>
      %dma_wait3A_372 = arith.constant 0 : i32
      %dma_wait3A_373 = arith.constant 0 : i32
      %dma_wait3A_374 = tpu.memref_slice %arg2[%dma_wait3A_372, %dma_wait3A_373] : memref<1000000x64xf32, #tpu.memory_space<hbm>> -> memref<1000000x64xf32, #tpu.memory_space<hbm>>
      tpu.wait_indirect_dma semaphore(%arg9 : memref<!tpu.dma_semaphore, #tpu.memory_space<semaphore_mem>>) src(%dma_wait3A_374 : memref<1000000x64xf32, #tpu.memory_space<hbm>>) dst(%dma_wait3A_368 : memref<100x64xf32, #tpu.memory_space<vmem>>)
      %dma_wait3A_375 = arith.constant 13 : i32
      %dma_wait3A_376 = arith.constant 6 : i32
      %dma_wait3A_377 = arith.constant 100 : i32
      %dma_wait3A_378 = arith.constant 0 : i32
      %dma_wait3A_379 = tpu.memref_slice %arg7[%dma_wait3A_376, %dma_wait3A_377, %dma_wait3A_378] : memref<8x200x64xf32, #tpu.memory_space<vmem>> -> memref<1x100x64xf32, #tpu.memory_space<vmem>>
      %dma_wait3A_380 = tpu.memref_squeeze %dma_wait3A_379 : memref<1x100x64xf32, #tpu.memory_space<vmem>> -> memref<100x64xf32, #tpu.memory_space<vmem>>
      %dma_wait3A_381 = arith.constant 0 : i32
      %dma_wait3A_382 = tpu.memref_slice %arg6[%dma_wait3A_375, %dma_wait3A_381] : memref<16x100xi32, #tpu.memory_space<vmem>> -> memref<1x100xi32, #tpu.memory_space<vmem>>
      %dma_wait3A_383 = tpu.memref_squeeze %dma_wait3A_382 : memref<1x100xi32, #tpu.memory_space<vmem>> -> memref<100xi32, #tpu.memory_space<vmem>>
      %dma_wait3A_384 = arith.constant 0 : i32
      %dma_wait3A_385 = arith.constant 0 : i32
      %dma_wait3A_386 = tpu.memref_slice %arg2[%dma_wait3A_384, %dma_wait3A_385] : memref<1000000x64xf32, #tpu.memory_space<hbm>> -> memref<1000000x64xf32, #tpu.memory_space<hbm>>
      tpu.wait_indirect_dma semaphore(%arg9 : memref<!tpu.dma_semaphore, #tpu.memory_space<semaphore_mem>>) src(%dma_wait3A_386 : memref<1000000x64xf32, #tpu.memory_space<hbm>>) dst(%dma_wait3A_380 : memref<100x64xf32, #tpu.memory_space<vmem>>)
      %dma_wait3A_387 = arith.constant 14 : i32
      %dma_wait3A_388 = arith.constant 7 : i32
      %dma_wait3A_389 = arith.constant 0 : i32
      %dma_wait3A_390 = arith.constant 0 : i32
      %dma_wait3A_391 = tpu.memref_slice %arg7[%dma_wait3A_388, %dma_wait3A_389, %dma_wait3A_390] : memref<8x200x64xf32, #tpu.memory_space<vmem>> -> memref<1x100x64xf32, #tpu.memory_space<vmem>>
      %dma_wait3A_392 = tpu.memref_squeeze %dma_wait3A_391 : memref<1x100x64xf32, #tpu.memory_space<vmem>> -> memref<100x64xf32, #tpu.memory_space<vmem>>
      %dma_wait3A_393 = arith.constant 0 : i32
      %dma_wait3A_394 = tpu.memref_slice %arg6[%dma_wait3A_387, %dma_wait3A_393] : memref<16x100xi32, #tpu.memory_space<vmem>> -> memref<1x100xi32, #tpu.memory_space<vmem>>
      %dma_wait3A_395 = tpu.memref_squeeze %dma_wait3A_394 : memref<1x100xi32, #tpu.memory_space<vmem>> -> memref<100xi32, #tpu.memory_space<vmem>>
      %dma_wait3A_396 = arith.constant 0 : i32
      %dma_wait3A_397 = arith.constant 0 : i32
      %dma_wait3A_398 = tpu.memref_slice %arg2[%dma_wait3A_396, %dma_wait3A_397] : memref<1000000x64xf32, #tpu.memory_space<hbm>> -> memref<1000000x64xf32, #tpu.memory_space<hbm>>
      tpu.wait_indirect_dma semaphore(%arg9 : memref<!tpu.dma_semaphore, #tpu.memory_space<semaphore_mem>>) src(%dma_wait3A_398 : memref<1000000x64xf32, #tpu.memory_space<hbm>>) dst(%dma_wait3A_392 : memref<100x64xf32, #tpu.memory_space<vmem>>)
      %dma_wait3A_399 = arith.constant 15 : i32
      %dma_wait3A_400 = arith.constant 7 : i32
      %dma_wait3A_401 = arith.constant 100 : i32
      %dma_wait3A_402 = arith.constant 0 : i32
      %dma_wait3A_403 = tpu.memref_slice %arg7[%dma_wait3A_400, %dma_wait3A_401, %dma_wait3A_402] : memref<8x200x64xf32, #tpu.memory_space<vmem>> -> memref<1x100x64xf32, #tpu.memory_space<vmem>>
      %dma_wait3A_404 = tpu.memref_squeeze %dma_wait3A_403 : memref<1x100x64xf32, #tpu.memory_space<vmem>> -> memref<100x64xf32, #tpu.memory_space<vmem>>
      %dma_wait3A_405 = arith.constant 0 : i32
      %dma_wait3A_406 = tpu.memref_slice %arg6[%dma_wait3A_399, %dma_wait3A_405] : memref<16x100xi32, #tpu.memory_space<vmem>> -> memref<1x100xi32, #tpu.memory_space<vmem>>
      %dma_wait3A_407 = tpu.memref_squeeze %dma_wait3A_406 : memref<1x100xi32, #tpu.memory_space<vmem>> -> memref<100xi32, #tpu.memory_space<vmem>>
      %dma_wait3A_408 = arith.constant 0 : i32
      %dma_wait3A_409 = arith.constant 0 : i32
      %dma_wait3A_410 = tpu.memref_slice %arg2[%dma_wait3A_408, %dma_wait3A_409] : memref<1000000x64xf32, #tpu.memory_space<hbm>> -> memref<1000000x64xf32, #tpu.memory_space<hbm>>
      tpu.wait_indirect_dma semaphore(%arg9 : memref<!tpu.dma_semaphore, #tpu.memory_space<semaphore_mem>>) src(%dma_wait3A_410 : memref<1000000x64xf32, #tpu.memory_space<hbm>>) dst(%dma_wait3A_404 : memref<100x64xf32, #tpu.memory_space<vmem>>)
      %scan3A_411 = arith.constant 0 : i32
      %scan3A_412 = arith.constant 0 : i32
      %scan3A_413 = arith.constant 200 : i32
      %scan3A_414 = arith.addi %scan3A_412, %scan3A_413 : i32
      %scan3A_415 = arith.constant 1 : i32
      scf.for %scan3A_441 = %scan3A_412 to %scan3A_414 step %scan3A_415  : i32 {
        %get3A = arith.index_cast %scan3A_441 : i32 to index
        %get3A_442 = arith.constant 0 : index
        %get3A_443 = tpu.vector_load %arg8[%get3A, %get3A_442] {strides = array<i32>} : memref<200x64xf32, #tpu.memory_space<vmem>>, vector<1x16xf32>,
        %get3A_444 = vector.shape_cast %get3A_443 : vector<1x16xf32> to vector<16xf32>
        %swap3A = arith.constant 0 : i32
        %swap3A_445 = arith.index_cast %swap3A : i32 to index
        %swap3A_446 = arith.index_cast %scan3A_441 : i32 to index
        %swap3A_447 = arith.constant 0 : index
        %swap3A_448 = tpu.vector_load %arg7[%swap3A_445, %swap3A_446, %swap3A_447] {strides = array<i32>} : memref<8x200x64xf32, #tpu.memory_space<vmem>>, vector<1x1x16xf32>,
        %swap3A_449 = vector.shape_cast %swap3A_448 : vector<1x1x16xf32> to vector<16xf32>
        %swap3A_450 = vector.shape_cast %get3A_444 : vector<16xf32> to vector<1x1x16xf32>
        tpu.vector_store %arg7[%swap3A_445, %swap3A_446, %swap3A_447], %swap3A_450 {add = true, strides = array<i32>} : memref<8x200x64xf32, #tpu.memory_space<vmem>>, vector<1x1x16xf32>,
        %swap3A_451 = arith.constant 1 : i32
        %swap3A_452 = arith.index_cast %swap3A_451 : i32 to index
        %swap3A_453 = arith.index_cast %scan3A_441 : i32 to index
        %swap3A_454 = arith.constant 0 : index
        %swap3A_455 = tpu.vector_load %arg7[%swap3A_452, %swap3A_453, %swap3A_454] {strides = array<i32>} : memref<8x200x64xf32, #tpu.memory_space<vmem>>, vector<1x1x16xf32>,
        %swap3A_456 = vector.shape_cast %swap3A_455 : vector<1x1x16xf32> to vector<16xf32>
        %swap3A_457 = vector.shape_cast %get3A_444 : vector<16xf32> to vector<1x1x16xf32>
        tpu.vector_store %arg7[%swap3A_452, %swap3A_453, %swap3A_454], %swap3A_457 {add = true, strides = array<i32>} : memref<8x200x64xf32, #tpu.memory_space<vmem>>, vector<1x1x16xf32>,
        %swap3A_458 = arith.constant 2 : i32
        %swap3A_459 = arith.index_cast %swap3A_458 : i32 to index
        %swap3A_460 = arith.index_cast %scan3A_441 : i32 to index
        %swap3A_461 = arith.constant 0 : index
        %swap3A_462 = tpu.vector_load %arg7[%swap3A_459, %swap3A_460, %swap3A_461] {strides = array<i32>} : memref<8x200x64xf32, #tpu.memory_space<vmem>>, vector<1x1x16xf32>,
        %swap3A_463 = vector.shape_cast %swap3A_462 : vector<1x1x16xf32> to vector<16xf32>
        %swap3A_464 = vector.shape_cast %get3A_444 : vector<16xf32> to vector<1x1x16xf32>
        tpu.vector_store %arg7[%swap3A_459, %swap3A_460, %swap3A_461], %swap3A_464 {add = true, strides = array<i32>} : memref<8x200x64xf32, #tpu.memory_space<vmem>>, vector<1x1x16xf32>,
        %swap3A_465 = arith.constant 3 : i32
        %swap3A_466 = arith.index_cast %swap3A_465 : i32 to index
        %swap3A_467 = arith.index_cast %scan3A_441 : i32 to index
        %swap3A_468 = arith.constant 0 : index
        %swap3A_469 = tpu.vector_load %arg7[%swap3A_466, %swap3A_467, %swap3A_468] {strides = array<i32>} : memref<8x200x64xf32, #tpu.memory_space<vmem>>, vector<1x1x16xf32>,
        %swap3A_470 = vector.shape_cast %swap3A_469 : vector<1x1x16xf32> to vector<16xf32>
        %swap3A_471 = vector.shape_cast %get3A_444 : vector<16xf32> to vector<1x1x16xf32>
        tpu.vector_store %arg7[%swap3A_466, %swap3A_467, %swap3A_468], %swap3A_471 {add = true, strides = array<i32>} : memref<8x200x64xf32, #tpu.memory_space<vmem>>, vector<1x1x16xf32>,
        %swap3A_472 = arith.constant 4 : i32
        %swap3A_473 = arith.index_cast %swap3A_472 : i32 to index
        %swap3A_474 = arith.index_cast %scan3A_441 : i32 to index
        %swap3A_475 = arith.constant 0 : index
        %swap3A_476 = tpu.vector_load %arg7[%swap3A_473, %swap3A_474, %swap3A_475] {strides = array<i32>} : memref<8x200x64xf32, #tpu.memory_space<vmem>>, vector<1x1x16xf32>,
        %swap3A_477 = vector.shape_cast %swap3A_476 : vector<1x1x16xf32> to vector<16xf32>
        %swap3A_478 = vector.shape_cast %get3A_444 : vector<16xf32> to vector<1x1x16xf32>
        tpu.vector_store %arg7[%swap3A_473, %swap3A_474, %swap3A_475], %swap3A_478 {add = true, strides = array<i32>} : memref<8x200x64xf32, #tpu.memory_space<vmem>>, vector<1x1x16xf32>,
        %swap3A_479 = arith.constant 5 : i32
        %swap3A_480 = arith.index_cast %swap3A_479 : i32 to index
        %swap3A_481 = arith.index_cast %scan3A_441 : i32 to index
        %swap3A_482 = arith.constant 0 : index
        %swap3A_483 = tpu.vector_load %arg7[%swap3A_480, %swap3A_481, %swap3A_482] {strides = array<i32>} : memref<8x200x64xf32, #tpu.memory_space<vmem>>, vector<1x1x16xf32>,
        %swap3A_484 = vector.shape_cast %swap3A_483 : vector<1x1x16xf32> to vector<16xf32>
        %swap3A_485 = vector.shape_cast %get3A_444 : vector<16xf32> to vector<1x1x16xf32>
        tpu.vector_store %arg7[%swap3A_480, %swap3A_481, %swap3A_482], %swap3A_485 {add = true, strides = array<i32>} : memref<8x200x64xf32, #tpu.memory_space<vmem>>, vector<1x1x16xf32>,
        %swap3A_486 = arith.constant 6 : i32
        %swap3A_487 = arith.index_cast %swap3A_486 : i32 to index
        %swap3A_488 = arith.index_cast %scan3A_441 : i32 to index
        %swap3A_489 = arith.constant 0 : index
        %swap3A_490 = tpu.vector_load %arg7[%swap3A_487, %swap3A_488, %swap3A_489] {strides = array<i32>} : memref<8x200x64xf32, #tpu.memory_space<vmem>>, vector<1x1x16xf32>,
        %swap3A_491 = vector.shape_cast %swap3A_490 : vector<1x1x16xf32> to vector<16xf32>
        %swap3A_492 = vector.shape_cast %get3A_444 : vector<16xf32> to vector<1x1x16xf32>
        tpu.vector_store %arg7[%swap3A_487, %swap3A_488, %swap3A_489], %swap3A_492 {add = true, strides = array<i32>} : memref<8x200x64xf32, #tpu.memory_space<vmem>>, vector<1x1x16xf32>,
        %swap3A_493 = arith.constant 7 : i32
        %swap3A_494 = arith.index_cast %swap3A_493 : i32 to index
        %swap3A_495 = arith.index_cast %scan3A_441 : i32 to index
        %swap3A_496 = arith.constant 0 : index
        %swap3A_497 = tpu.vector_load %arg7[%swap3A_494, %swap3A_495, %swap3A_496] {strides = array<i32>} : memref<8x200x64xf32, #tpu.memory_space<vmem>>, vector<1x1x16xf32>,
        %swap3A_498 = vector.shape_cast %swap3A_497 : vector<1x1x16xf32> to vector<16xf32>
        %swap3A_499 = vector.shape_cast %get3A_444 : vector<16xf32> to vector<1x1x16xf32>
        tpu.vector_store %arg7[%swap3A_494, %swap3A_495, %swap3A_496], %swap3A_499 {add = true, strides = array<i32>} : memref<8x200x64xf32, #tpu.memory_space<vmem>>, vector<1x1x16xf32>,
        %get3A_500 = arith.index_cast %scan3A_441 : i32 to index
        %get3A_501 = arith.constant 16 : index
        %get3A_502 = tpu.vector_load %arg8[%get3A_500, %get3A_501] {strides = array<i32>} : memref<200x64xf32, #tpu.memory_space<vmem>>, vector<1x16xf32>,
        %get3A_503 = vector.shape_cast %get3A_502 : vector<1x16xf32> to vector<16xf32>
        %swap3A_504 = arith.constant 0 : i32
        %swap3A_505 = arith.index_cast %swap3A_504 : i32 to index
        %swap3A_506 = arith.index_cast %scan3A_441 : i32 to index
        %swap3A_507 = arith.constant 16 : index
        %swap3A_508 = tpu.vector_load %arg7[%swap3A_505, %swap3A_506, %swap3A_507] {strides = array<i32>} : memref<8x200x64xf32, #tpu.memory_space<vmem>>, vector<1x1x16xf32>,
        %swap3A_509 = vector.shape_cast %swap3A_508 : vector<1x1x16xf32> to vector<16xf32>
        %swap3A_510 = vector.shape_cast %get3A_503 : vector<16xf32> to vector<1x1x16xf32>
        tpu.vector_store %arg7[%swap3A_505, %swap3A_506, %swap3A_507], %swap3A_510 {add = true, strides = array<i32>} : memref<8x200x64xf32, #tpu.memory_space<vmem>>, vector<1x1x16xf32>,
        %swap3A_511 = arith.constant 1 : i32
        %swap3A_512 = arith.index_cast %swap3A_511 : i32 to index
        %swap3A_513 = arith.index_cast %scan3A_441 : i32 to index
        %swap3A_514 = arith.constant 16 : index
        %swap3A_515 = tpu.vector_load %arg7[%swap3A_512, %swap3A_513, %swap3A_514] {strides = array<i32>} : memref<8x200x64xf32, #tpu.memory_space<vmem>>, vector<1x1x16xf32>,
        %swap3A_516 = vector.shape_cast %swap3A_515 : vector<1x1x16xf32> to vector<16xf32>
        %swap3A_517 = vector.shape_cast %get3A_503 : vector<16xf32> to vector<1x1x16xf32>
        tpu.vector_store %arg7[%swap3A_512, %swap3A_513, %swap3A_514], %swap3A_517 {add = true, strides = array<i32>} : memref<8x200x64xf32, #tpu.memory_space<vmem>>, vector<1x1x16xf32>,
        %swap3A_518 = arith.constant 2 : i32
        %swap3A_519 = arith.index_cast %swap3A_518 : i32 to index
        %swap3A_520 = arith.index_cast %scan3A_441 : i32 to index
        %swap3A_521 = arith.constant 16 : index
        %swap3A_522 = tpu.vector_load %arg7[%swap3A_519, %swap3A_520, %swap3A_521] {strides = array<i32>} : memref<8x200x64xf32, #tpu.memory_space<vmem>>, vector<1x1x16xf32>,
        %swap3A_523 = vector.shape_cast %swap3A_522 : vector<1x1x16xf32> to vector<16xf32>
        %swap3A_524 = vector.shape_cast %get3A_503 : vector<16xf32> to vector<1x1x16xf32>
        tpu.vector_store %arg7[%swap3A_519, %swap3A_520, %swap3A_521], %swap3A_524 {add = true, strides = array<i32>} : memref<8x200x64xf32, #tpu.memory_space<vmem>>, vector<1x1x16xf32>,
        %swap3A_525 = arith.constant 3 : i32
        %swap3A_526 = arith.index_cast %swap3A_525 : i32 to index
        %swap3A_527 = arith.index_cast %scan3A_441 : i32 to index
        %swap3A_528 = arith.constant 16 : index
        %swap3A_529 = tpu.vector_load %arg7[%swap3A_526, %swap3A_527, %swap3A_528] {strides = array<i32>} : memref<8x200x64xf32, #tpu.memory_space<vmem>>, vector<1x1x16xf32>,
        %swap3A_530 = vector.shape_cast %swap3A_529 : vector<1x1x16xf32> to vector<16xf32>
        %swap3A_531 = vector.shape_cast %get3A_503 : vector<16xf32> to vector<1x1x16xf32>
        tpu.vector_store %arg7[%swap3A_526, %swap3A_527, %swap3A_528], %swap3A_531 {add = true, strides = array<i32>} : memref<8x200x64xf32, #tpu.memory_space<vmem>>, vector<1x1x16xf32>,
        %swap3A_532 = arith.constant 4 : i32
        %swap3A_533 = arith.index_cast %swap3A_532 : i32 to index
        %swap3A_534 = arith.index_cast %scan3A_441 : i32 to index
        %swap3A_535 = arith.constant 16 : index
        %swap3A_536 = tpu.vector_load %arg7[%swap3A_533, %swap3A_534, %swap3A_535] {strides = array<i32>} : memref<8x200x64xf32, #tpu.memory_space<vmem>>, vector<1x1x16xf32>,
        %swap3A_537 = vector.shape_cast %swap3A_536 : vector<1x1x16xf32> to vector<16xf32>
        %swap3A_538 = vector.shape_cast %get3A_503 : vector<16xf32> to vector<1x1x16xf32>
        tpu.vector_store %arg7[%swap3A_533, %swap3A_534, %swap3A_535], %swap3A_538 {add = true, strides = array<i32>} : memref<8x200x64xf32, #tpu.memory_space<vmem>>, vector<1x1x16xf32>,
        %swap3A_539 = arith.constant 5 : i32
        %swap3A_540 = arith.index_cast %swap3A_539 : i32 to index
        %swap3A_541 = arith.index_cast %scan3A_441 : i32 to index
        %swap3A_542 = arith.constant 16 : index
        %swap3A_543 = tpu.vector_load %arg7[%swap3A_540, %swap3A_541, %swap3A_542] {strides = array<i32>} : memref<8x200x64xf32, #tpu.memory_space<vmem>>, vector<1x1x16xf32>,
        %swap3A_544 = vector.shape_cast %swap3A_543 : vector<1x1x16xf32> to vector<16xf32>
        %swap3A_545 = vector.shape_cast %get3A_503 : vector<16xf32> to vector<1x1x16xf32>
        tpu.vector_store %arg7[%swap3A_540, %swap3A_541, %swap3A_542], %swap3A_545 {add = true, strides = array<i32>} : memref<8x200x64xf32, #tpu.memory_space<vmem>>, vector<1x1x16xf32>,
        %swap3A_546 = arith.constant 6 : i32
        %swap3A_547 = arith.index_cast %swap3A_546 : i32 to index
        %swap3A_548 = arith.index_cast %scan3A_441 : i32 to index
        %swap3A_549 = arith.constant 16 : index
        %swap3A_550 = tpu.vector_load %arg7[%swap3A_547, %swap3A_548, %swap3A_549] {strides = array<i32>} : memref<8x200x64xf32, #tpu.memory_space<vmem>>, vector<1x1x16xf32>,
        %swap3A_551 = vector.shape_cast %swap3A_550 : vector<1x1x16xf32> to vector<16xf32>
        %swap3A_552 = vector.shape_cast %get3A_503 : vector<16xf32> to vector<1x1x16xf32>
        tpu.vector_store %arg7[%swap3A_547, %swap3A_548, %swap3A_549], %swap3A_552 {add = true, strides = array<i32>} : memref<8x200x64xf32, #tpu.memory_space<vmem>>, vector<1x1x16xf32>,
        %swap3A_553 = arith.constant 7 : i32
        %swap3A_554 = arith.index_cast %swap3A_553 : i32 to index
        %swap3A_555 = arith.index_cast %scan3A_441 : i32 to index
        %swap3A_556 = arith.constant 16 : index
        %swap3A_557 = tpu.vector_load %arg7[%swap3A_554, %swap3A_555, %swap3A_556] {strides = array<i32>} : memref<8x200x64xf32, #tpu.memory_space<vmem>>, vector<1x1x16xf32>,
        %swap3A_558 = vector.shape_cast %swap3A_557 : vector<1x1x16xf32> to vector<16xf32>
        %swap3A_559 = vector.shape_cast %get3A_503 : vector<16xf32> to vector<1x1x16xf32>
        tpu.vector_store %arg7[%swap3A_554, %swap3A_555, %swap3A_556], %swap3A_559 {add = true, strides = array<i32>} : memref<8x200x64xf32, #tpu.memory_space<vmem>>, vector<1x1x16xf32>,
        %get3A_560 = arith.index_cast %scan3A_441 : i32 to index
        %get3A_561 = arith.constant 32 : index
        %get3A_562 = tpu.vector_load %arg8[%get3A_560, %get3A_561] {strides = array<i32>} : memref<200x64xf32, #tpu.memory_space<vmem>>, vector<1x16xf32>,
        %get3A_563 = vector.shape_cast %get3A_562 : vector<1x16xf32> to vector<16xf32>
        %swap3A_564 = arith.constant 0 : i32
        %swap3A_565 = arith.index_cast %swap3A_564 : i32 to index
        %swap3A_566 = arith.index_cast %scan3A_441 : i32 to index
        %swap3A_567 = arith.constant 32 : index
        %swap3A_568 = tpu.vector_load %arg7[%swap3A_565, %swap3A_566, %swap3A_567] {strides = array<i32>} : memref<8x200x64xf32, #tpu.memory_space<vmem>>, vector<1x1x16xf32>,
        %swap3A_569 = vector.shape_cast %swap3A_568 : vector<1x1x16xf32> to vector<16xf32>
        %swap3A_570 = vector.shape_cast %get3A_563 : vector<16xf32> to vector<1x1x16xf32>
        tpu.vector_store %arg7[%swap3A_565, %swap3A_566, %swap3A_567], %swap3A_570 {add = true, strides = array<i32>} : memref<8x200x64xf32, #tpu.memory_space<vmem>>, vector<1x1x16xf32>,
        %swap3A_571 = arith.constant 1 : i32
        %swap3A_572 = arith.index_cast %swap3A_571 : i32 to index
        %swap3A_573 = arith.index_cast %scan3A_441 : i32 to index
        %swap3A_574 = arith.constant 32 : index
        %swap3A_575 = tpu.vector_load %arg7[%swap3A_572, %swap3A_573, %swap3A_574] {strides = array<i32>} : memref<8x200x64xf32, #tpu.memory_space<vmem>>, vector<1x1x16xf32>,
        %swap3A_576 = vector.shape_cast %swap3A_575 : vector<1x1x16xf32> to vector<16xf32>
        %swap3A_577 = vector.shape_cast %get3A_563 : vector<16xf32> to vector<1x1x16xf32>
        tpu.vector_store %arg7[%swap3A_572, %swap3A_573, %swap3A_574], %swap3A_577 {add = true, strides = array<i32>} : memref<8x200x64xf32, #tpu.memory_space<vmem>>, vector<1x1x16xf32>,
        %swap3A_578 = arith.constant 2 : i32
        %swap3A_579 = arith.index_cast %swap3A_578 : i32 to index
        %swap3A_580 = arith.index_cast %scan3A_441 : i32 to index
        %swap3A_581 = arith.constant 32 : index
        %swap3A_582 = tpu.vector_load %arg7[%swap3A_579, %swap3A_580, %swap3A_581] {strides = array<i32>} : memref<8x200x64xf32, #tpu.memory_space<vmem>>, vector<1x1x16xf32>,
        %swap3A_583 = vector.shape_cast %swap3A_582 : vector<1x1x16xf32> to vector<16xf32>
        %swap3A_584 = vector.shape_cast %get3A_563 : vector<16xf32> to vector<1x1x16xf32>
        tpu.vector_store %arg7[%swap3A_579, %swap3A_580, %swap3A_581], %swap3A_584 {add = true, strides = array<i32>} : memref<8x200x64xf32, #tpu.memory_space<vmem>>, vector<1x1x16xf32>,
        %swap3A_585 = arith.constant 3 : i32
        %swap3A_586 = arith.index_cast %swap3A_585 : i32 to index
        %swap3A_587 = arith.index_cast %scan3A_441 : i32 to index
        %swap3A_588 = arith.constant 32 : index
        %swap3A_589 = tpu.vector_load %arg7[%swap3A_586, %swap3A_587, %swap3A_588] {strides = array<i32>} : memref<8x200x64xf32, #tpu.memory_space<vmem>>, vector<1x1x16xf32>,
        %swap3A_590 = vector.shape_cast %swap3A_589 : vector<1x1x16xf32> to vector<16xf32>
        %swap3A_591 = vector.shape_cast %get3A_563 : vector<16xf32> to vector<1x1x16xf32>
        tpu.vector_store %arg7[%swap3A_586, %swap3A_587, %swap3A_588], %swap3A_591 {add = true, strides = array<i32>} : memref<8x200x64xf32, #tpu.memory_space<vmem>>, vector<1x1x16xf32>,
        %swap3A_592 = arith.constant 4 : i32
        %swap3A_593 = arith.index_cast %swap3A_592 : i32 to index
        %swap3A_594 = arith.index_cast %scan3A_441 : i32 to index
        %swap3A_595 = arith.constant 32 : index
        %swap3A_596 = tpu.vector_load %arg7[%swap3A_593, %swap3A_594, %swap3A_595] {strides = array<i32>} : memref<8x200x64xf32, #tpu.memory_space<vmem>>, vector<1x1x16xf32>,
        %swap3A_597 = vector.shape_cast %swap3A_596 : vector<1x1x16xf32> to vector<16xf32>
        %swap3A_598 = vector.shape_cast %get3A_563 : vector<16xf32> to vector<1x1x16xf32>
        tpu.vector_store %arg7[%swap3A_593, %swap3A_594, %swap3A_595], %swap3A_598 {add = true, strides = array<i32>} : memref<8x200x64xf32, #tpu.memory_space<vmem>>, vector<1x1x16xf32>,
        %swap3A_599 = arith.constant 5 : i32
        %swap3A_600 = arith.index_cast %swap3A_599 : i32 to index
        %swap3A_601 = arith.index_cast %scan3A_441 : i32 to index
        %swap3A_602 = arith.constant 32 : index
        %swap3A_603 = tpu.vector_load %arg7[%swap3A_600, %swap3A_601, %swap3A_602] {strides = array<i32>} : memref<8x200x64xf32, #tpu.memory_space<vmem>>, vector<1x1x16xf32>,
        %swap3A_604 = vector.shape_cast %swap3A_603 : vector<1x1x16xf32> to vector<16xf32>
        %swap3A_605 = vector.shape_cast %get3A_563 : vector<16xf32> to vector<1x1x16xf32>
        tpu.vector_store %arg7[%swap3A_600, %swap3A_601, %swap3A_602], %swap3A_605 {add = true, strides = array<i32>} : memref<8x200x64xf32, #tpu.memory_space<vmem>>, vector<1x1x16xf32>,
        %swap3A_606 = arith.constant 6 : i32
        %swap3A_607 = arith.index_cast %swap3A_606 : i32 to index
        %swap3A_608 = arith.index_cast %scan3A_441 : i32 to index
        %swap3A_609 = arith.constant 32 : index
        %swap3A_610 = tpu.vector_load %arg7[%swap3A_607, %swap3A_608, %swap3A_609] {strides = array<i32>} : memref<8x200x64xf32, #tpu.memory_space<vmem>>, vector<1x1x16xf32>,
        %swap3A_611 = vector.shape_cast %swap3A_610 : vector<1x1x16xf32> to vector<16xf32>
        %swap3A_612 = vector.shape_cast %get3A_563 : vector<16xf32> to vector<1x1x16xf32>
        tpu.vector_store %arg7[%swap3A_607, %swap3A_608, %swap3A_609], %swap3A_612 {add = true, strides = array<i32>} : memref<8x200x64xf32, #tpu.memory_space<vmem>>, vector<1x1x16xf32>,
        %swap3A_613 = arith.constant 7 : i32
        %swap3A_614 = arith.index_cast %swap3A_613 : i32 to index
        %swap3A_615 = arith.index_cast %scan3A_441 : i32 to index
        %swap3A_616 = arith.constant 32 : index
        %swap3A_617 = tpu.vector_load %arg7[%swap3A_614, %swap3A_615, %swap3A_616] {strides = array<i32>} : memref<8x200x64xf32, #tpu.memory_space<vmem>>, vector<1x1x16xf32>,
        %swap3A_618 = vector.shape_cast %swap3A_617 : vector<1x1x16xf32> to vector<16xf32>
        %swap3A_619 = vector.shape_cast %get3A_563 : vector<16xf32> to vector<1x1x16xf32>
        tpu.vector_store %arg7[%swap3A_614, %swap3A_615, %swap3A_616], %swap3A_619 {add = true, strides = array<i32>} : memref<8x200x64xf32, #tpu.memory_space<vmem>>, vector<1x1x16xf32>,
        %get3A_620 = arith.index_cast %scan3A_441 : i32 to index
        %get3A_621 = arith.constant 48 : index
        %get3A_622 = tpu.vector_load %arg8[%get3A_620, %get3A_621] {strides = array<i32>} : memref<200x64xf32, #tpu.memory_space<vmem>>, vector<1x16xf32>,
        %get3A_623 = vector.shape_cast %get3A_622 : vector<1x16xf32> to vector<16xf32>
        %swap3A_624 = arith.constant 0 : i32
        %swap3A_625 = arith.index_cast %swap3A_624 : i32 to index
        %swap3A_626 = arith.index_cast %scan3A_441 : i32 to index
        %swap3A_627 = arith.constant 48 : index
        %swap3A_628 = tpu.vector_load %arg7[%swap3A_625, %swap3A_626, %swap3A_627] {strides = array<i32>} : memref<8x200x64xf32, #tpu.memory_space<vmem>>, vector<1x1x16xf32>,
        %swap3A_629 = vector.shape_cast %swap3A_628 : vector<1x1x16xf32> to vector<16xf32>
        %swap3A_630 = vector.shape_cast %get3A_623 : vector<16xf32> to vector<1x1x16xf32>
        tpu.vector_store %arg7[%swap3A_625, %swap3A_626, %swap3A_627], %swap3A_630 {add = true, strides = array<i32>} : memref<8x200x64xf32, #tpu.memory_space<vmem>>, vector<1x1x16xf32>,
        %swap3A_631 = arith.constant 1 : i32
        %swap3A_632 = arith.index_cast %swap3A_631 : i32 to index
        %swap3A_633 = arith.index_cast %scan3A_441 : i32 to index
        %swap3A_634 = arith.constant 48 : index
        %swap3A_635 = tpu.vector_load %arg7[%swap3A_632, %swap3A_633, %swap3A_634] {strides = array<i32>} : memref<8x200x64xf32, #tpu.memory_space<vmem>>, vector<1x1x16xf32>,
        %swap3A_636 = vector.shape_cast %swap3A_635 : vector<1x1x16xf32> to vector<16xf32>
        %swap3A_637 = vector.shape_cast %get3A_623 : vector<16xf32> to vector<1x1x16xf32>
        tpu.vector_store %arg7[%swap3A_632, %swap3A_633, %swap3A_634], %swap3A_637 {add = true, strides = array<i32>} : memref<8x200x64xf32, #tpu.memory_space<vmem>>, vector<1x1x16xf32>,
        %swap3A_638 = arith.constant 2 : i32
        %swap3A_639 = arith.index_cast %swap3A_638 : i32 to index
        %swap3A_640 = arith.index_cast %scan3A_441 : i32 to index
        %swap3A_641 = arith.constant 48 : index
        %swap3A_642 = tpu.vector_load %arg7[%swap3A_639, %swap3A_640, %swap3A_641] {strides = array<i32>} : memref<8x200x64xf32, #tpu.memory_space<vmem>>, vector<1x1x16xf32>,
        %swap3A_643 = vector.shape_cast %swap3A_642 : vector<1x1x16xf32> to vector<16xf32>
        %swap3A_644 = vector.shape_cast %get3A_623 : vector<16xf32> to vector<1x1x16xf32>
        tpu.vector_store %arg7[%swap3A_639, %swap3A_640, %swap3A_641], %swap3A_644 {add = true, strides = array<i32>} : memref<8x200x64xf32, #tpu.memory_space<vmem>>, vector<1x1x16xf32>,
        %swap3A_645 = arith.constant 3 : i32
        %swap3A_646 = arith.index_cast %swap3A_645 : i32 to index
        %swap3A_647 = arith.index_cast %scan3A_441 : i32 to index
        %swap3A_648 = arith.constant 48 : index
        %swap3A_649 = tpu.vector_load %arg7[%swap3A_646, %swap3A_647, %swap3A_648] {strides = array<i32>} : memref<8x200x64xf32, #tpu.memory_space<vmem>>, vector<1x1x16xf32>,
        %swap3A_650 = vector.shape_cast %swap3A_649 : vector<1x1x16xf32> to vector<16xf32>
        %swap3A_651 = vector.shape_cast %get3A_623 : vector<16xf32> to vector<1x1x16xf32>
        tpu.vector_store %arg7[%swap3A_646, %swap3A_647, %swap3A_648], %swap3A_651 {add = true, strides = array<i32>} : memref<8x200x64xf32, #tpu.memory_space<vmem>>, vector<1x1x16xf32>,
        %swap3A_652 = arith.constant 4 : i32
        %swap3A_653 = arith.index_cast %swap3A_652 : i32 to index
        %swap3A_654 = arith.index_cast %scan3A_441 : i32 to index
        %swap3A_655 = arith.constant 48 : index
        %swap3A_656 = tpu.vector_load %arg7[%swap3A_653, %swap3A_654, %swap3A_655] {strides = array<i32>} : memref<8x200x64xf32, #tpu.memory_space<vmem>>, vector<1x1x16xf32>,
        %swap3A_657 = vector.shape_cast %swap3A_656 : vector<1x1x16xf32> to vector<16xf32>
        %swap3A_658 = vector.shape_cast %get3A_623 : vector<16xf32> to vector<1x1x16xf32>
        tpu.vector_store %arg7[%swap3A_653, %swap3A_654, %swap3A_655], %swap3A_658 {add = true, strides = array<i32>} : memref<8x200x64xf32, #tpu.memory_space<vmem>>, vector<1x1x16xf32>,
        %swap3A_659 = arith.constant 5 : i32
        %swap3A_660 = arith.index_cast %swap3A_659 : i32 to index
        %swap3A_661 = arith.index_cast %scan3A_441 : i32 to index
        %swap3A_662 = arith.constant 48 : index
        %swap3A_663 = tpu.vector_load %arg7[%swap3A_660, %swap3A_661, %swap3A_662] {strides = array<i32>} : memref<8x200x64xf32, #tpu.memory_space<vmem>>, vector<1x1x16xf32>,
        %swap3A_664 = vector.shape_cast %swap3A_663 : vector<1x1x16xf32> to vector<16xf32>
        %swap3A_665 = vector.shape_cast %get3A_623 : vector<16xf32> to vector<1x1x16xf32>
        tpu.vector_store %arg7[%swap3A_660, %swap3A_661, %swap3A_662], %swap3A_665 {add = true, strides = array<i32>} : memref<8x200x64xf32, #tpu.memory_space<vmem>>, vector<1x1x16xf32>,
        %swap3A_666 = arith.constant 6 : i32
        %swap3A_667 = arith.index_cast %swap3A_666 : i32 to index
        %swap3A_668 = arith.index_cast %scan3A_441 : i32 to index
        %swap3A_669 = arith.constant 48 : index
        %swap3A_670 = tpu.vector_load %arg7[%swap3A_667, %swap3A_668, %swap3A_669] {strides = array<i32>} : memref<8x200x64xf32, #tpu.memory_space<vmem>>, vector<1x1x16xf32>,
        %swap3A_671 = vector.shape_cast %swap3A_670 : vector<1x1x16xf32> to vector<16xf32>
        %swap3A_672 = vector.shape_cast %get3A_623 : vector<16xf32> to vector<1x1x16xf32>
        tpu.vector_store %arg7[%swap3A_667, %swap3A_668, %swap3A_669], %swap3A_672 {add = true, strides = array<i32>} : memref<8x200x64xf32, #tpu.memory_space<vmem>>, vector<1x1x16xf32>,
        %swap3A_673 = arith.constant 7 : i32
        %swap3A_674 = arith.index_cast %swap3A_673 : i32 to index
        %swap3A_675 = arith.index_cast %scan3A_441 : i32 to index
        %swap3A_676 = arith.constant 48 : index
        %swap3A_677 = tpu.vector_load %arg7[%swap3A_674, %swap3A_675, %swap3A_676] {strides = array<i32>} : memref<8x200x64xf32, #tpu.memory_space<vmem>>, vector<1x1x16xf32>,
        %swap3A_678 = vector.shape_cast %swap3A_677 : vector<1x1x16xf32> to vector<16xf32>
        %swap3A_679 = vector.shape_cast %get3A_623 : vector<16xf32> to vector<1x1x16xf32>
        tpu.vector_store %arg7[%swap3A_674, %swap3A_675, %swap3A_676], %swap3A_679 {add = true, strides = array<i32>} : memref<8x200x64xf32, #tpu.memory_space<vmem>>, vector<1x1x16xf32>,
      }
      %scan3A_416 = arith.constant 200 : i32
      %jit3A_417 = arith.constant 200 : i32
      %div3A_418 = arith.divsi %multiple_of3A, %jit3A_417 : i32
      %sign3A_419 = arith.constant 0 : i32
      %sign3A_420 = arith.cmpi sgt, %multiple_of3A, %sign3A_419 : i32
      %sign3A_421 = arith.extui %sign3A_420 : i1 to i32
      %sign3A_422 = arith.constant 0 : i32
      %sign3A_423 = arith.cmpi slt, %multiple_of3A, %sign3A_422 : i32
      %sign3A_424 = arith.extui %sign3A_423 : i1 to i32
      %sign3A_425 = arith.subi %sign3A_421, %sign3A_424 : i32
      %sign3A_426 = arith.constant 0 : i32
      %sign3A_427 = arith.cmpi sgt, %jit3A_417, %sign3A_426 : i32
      %sign3A_428 = arith.extui %sign3A_427 : i1 to i32
      %sign3A_429 = arith.constant 0 : i32
      %sign3A_430 = arith.cmpi slt, %jit3A_417, %sign3A_429 : i32
      %sign3A_431 = arith.extui %sign3A_430 : i1 to i32
      %sign3A_432 = arith.subi %sign3A_428, %sign3A_431 : i32
      %ne3A_433 = arith.cmpi ne, %sign3A_425, %sign3A_432 : i32
      %rem3A_434 = arith.remsi %multiple_of3A, %jit3A_417 : i32
      %ne3A_435 = arith.constant 0 : i32
      %ne3A_436 = arith.cmpi ne, %rem3A_434, %ne3A_435 : i32
      %and3A_437 = arith.andi %ne3A_433, %ne3A_436 : i1
      %sub3A_438 = arith.constant 1 : i32
      %sub3A_439 = arith.subi %div3A_418, %sub3A_438 : i32
      %select_n3A_440 = arith.select %and3A_437, %sub3A_439, %div3A_418 : i32
      "tpu.region"() ({
        %run_scoped3A = tpu.sem_alloc : memref<!tpu.dma_semaphore, #tpu.memory_space<semaphore_mem>>
        %dma_start3A_441 = arith.constant 0 : i32
        %dma_start3A_442 = arith.constant 0 : i32
        %dma_start3A_443 = tpu.memref_slice %arg5[%select_n3A_440, %dma_start3A_441, %dma_start3A_442] : memref<1024x200x64xf32, #tpu.memory_space<hbm>> -> memref<8x200x64xf32, #tpu.memory_space<hbm>>
        %dma_start3A_444 = arith.constant 0 : i32
        %dma_start3A_445 = arith.constant 0 : i32
        %dma_start3A_446 = tpu.memref_slice %arg5[%select_n3A_440, %dma_start3A_444, %dma_start3A_445] : memref<1024x200x64xf32, #tpu.memory_space<hbm>> -> memref<8x200x64xf32, #tpu.memory_space<hbm>>
        tpu.enqueue_dma source(%arg7 : memref<8x200x64xf32, #tpu.memory_space<vmem>>) target(%dma_start3A_446 : memref<8x200x64xf32, #tpu.memory_space<hbm>>) target_semaphore(%run_scoped3A : memref<!tpu.dma_semaphore, #tpu.memory_space<semaphore_mem>>)
        %dma_wait3A_447 = arith.constant 0 : i32
        %dma_wait3A_448 = arith.constant 0 : i32
        %dma_wait3A_449 = tpu.memref_slice %arg5[%select_n3A_440, %dma_wait3A_447, %dma_wait3A_448] : memref<1024x200x64xf32, #tpu.memory_space<hbm>> -> memref<8x200x64xf32, #tpu.memory_space<hbm>>
        %dma_wait3A_450 = arith.constant 0 : i32
        %dma_wait3A_451 = arith.constant 0 : i32
        %dma_wait3A_452 = tpu.memref_slice %arg5[%select_n3A_440, %dma_wait3A_450, %dma_wait3A_451] : memref<1024x200x64xf32, #tpu.memory_space<hbm>> -> memref<8x200x64xf32, #tpu.memory_space<hbm>>
        tpu.wait_dma2 semaphore(%run_scoped3A : memref<!tpu.dma_semaphore, #tpu.memory_space<semaphore_mem>>) src(%arg7 : memref<8x200x64xf32, #tpu.memory_space<vmem>>) dst(%dma_wait3A_452 : memref<8x200x64xf32, #tpu.memory_space<hbm>>)
        tpu.yield
      }) : () -> ()
    }
    %scan3A_7 = arith.constant 4 : i32
    return
  }
}

</mosaic_0001>

<sc_bundles>
// kernel: kernel.3.cloned.1.call-start
scs
__scs_entry_jumppad:
0x0: {  	(pc) =	sbr.rel $0x88, $3  }
0x1: {  	(tag) =	ssettag $0x0;
	lr =	simm.s32 $0x1  }
0x2: {  	[smem:$0x3F9F] =	sst lr;
	_ =	strace $0xD0000000  }
0x3: {  	_ = 	snop  }
0x4: {  	_ = 	snop  }
0x5: {  	_ = 	snop  }
0x6: {  	_ = 	snop  }
0x7: {  	_ = 	snop  }
__scs_overlays_trampoline_lowered:
0x8: {  	[smem:$0x3FAE] =	sst s0  }
0x9: {  	[smem:$0x3FAF] =	sst s1  }
0xa: {  	[smem:$0x3FB0] =	sst s2  }
0xb: {  	[smem:$0x3FB1] =	sst s3  }
0xc: {  	[smem:$0x3FB2] =	sst s4  }
0xd: {  	[smem:$0x3FB3] =	sst s5  }
0xe: {  	[smem:$0x3FB4] =	sst s6  }
0xf: {  	[smem:$0x3FB5] =	sst s7  }
0x10: {  	[smem:$0x3FB6] =	sst s8  }
0x11: {  	[smem:$0x3FB7] =	sst s9;
	s0 =	simm.s32 @!p0 $0x0  }
0x12: {  	s1 =	sld [smem:$0x3F9D];
	s0 =	simm.s32 @p0 $0x1  }
0x13: {  	[smem:$0x3FB8] =	sst s0;
	s0 =	simm.s32 @!p1 $0x0  }
0x14: {  	s2 =	sld [smem:$0x3F9C];
	s0 =	simm.s32 @p1 $0x1  }
0x15: {  	[smem:$0x3FB9] =	sst s0;
	s0 =	simm.s32 @!p2 $0x0  }
0x16: {  	s3 =	sld [smem:$0x3FDB];
	s0 =	simm.s32 @p2 $0x1  }
0x17: {  	s4 =	simm.s32 $0x1BF5;
	[smem:$0x3FBB] =	sst s0  }
0x18: {  	s0 =	sld [smem:$0x3F9E];
	_ =	swait.ge [sflag:s4], $0x0  }
0x19: {  	s7 =	sld [smem:$0x3F9F]  }
0x1a: {  	s8 =	sadd.s32 $0xFFFFE003, lr  }
0x1b: {  	s9 =	sadd.s32 $0xFFFFFEF7, lr;
	s5 =	simm.s32 $0xFFFFFFFF;
	p2 =	slt.u32 s8, $0xFFFFF086  }
0x1c: {  	p1 =	slt.u32 s9, $0xF7A;
	s5 =	simm.s32 @!p2 $0x0  }
0x1d: {  	s5 =	simm.s32 @p1 $0x1;
	p0 =	seq.s32 s7, s2  }
0x1e: {  	s7 =	smul.u32 @!p0 $0xF7A, s2;
	p2 =	seq.s32 @!p0 s5, $0x0  }
0x1f: {  	s9 =	smul.u32 $0xF7A, s1;
	s8 =	simm.s32 @!p0 $0x1BF5;
	p2 =	por !p2, p0  }
0x20: {  	[sflag:s8] =	ssyncset.s32 @!p0 $0xFFFFF086;
	s6 =	sadd.s32 @!p0 s3, s7;
	s7 =	simm.s32 @!p0 $0x108  }
0x21: {  	s3 =	sadd.s32 s3, s9;
	s6 =	sadd.s32 @!p0 $0x88, s6;
	s7 =	simm.s32 @p2 $0x1082  }
0x22: {  	[simem:s7], [sflag:s8] =	dma.local @!p0 [hbm:s6], $0xF7A  }
0x23: {  	s9 =	sor.u32 $0xD0000000, s2;
	s6 =	simm.s32 $0x108;
	_ =	swait.ge @!p0 [sflag:s8], $0x0  }
0x24: {  	s3 =	sadd.s32 $0x88, s3;
	s6 =	simm.s32 @!p1 $0x1082;
	[sflag:s4] =	ssyncset.s32 $0xFFFFF086  }
0x25: {  	[simem:s6], [sflag:s4] =	dma.local [hbm:s3], $0xF7A  }
0x26: {  	[smem:$0x3F9F] =	sst s1;
	(tag) =	ssettag s2;
	_ =	strace s9  }
0x27: {  	s1 =	sld [smem:$0x3FAF]  }
0x28: {  	s2 =	sld [smem:$0x3FB0]  }
0x29: {  	s4 =	sld [smem:$0x3FB2]  }
0x2a: {  	p0 =	seq.s32 s5, $0x0;
	s5 =	sld [smem:$0x3FB3]  }
0x2b: {  	s6 =	sld [smem:$0x3FB4]  }
0x2c: {  	s7 =	sld [smem:$0x3FB5]  }
0x2d: {  	s3 =	simm.s32 $0x108;
	s8 =	sld [smem:$0x3FB6]  }
0x2e: {  	s3 =	simm.s32 @!p0 $0x1082;
	s9 =	sld [smem:$0x3FB7]  }
0x2f: {  	lr =	sadd.s32 s0, s3;
	s0 =	sld [smem:$0x3FAE]  }
0x30: {  	s3 =	sld [smem:$0x3FB1]  }
0x31: {  	[smem:$0x3FBA] =	sst s10  }
0x32: {  	s10 =	sld [smem:$0x3FB8];
	_ =	sdelay $0x3  }
0x33: {  	p0 =	seq.s32 s10, $0x1;
	s10 =	sld [smem:$0x3FBA];
	_ =	sdelay $0x3  }
0x34: {  	[smem:$0x3FBA] =	sst s10  }
0x35: {  	s10 =	sld [smem:$0x3FB9];
	_ =	sdelay $0x3  }
0x36: {  	p1 =	seq.s32 s10, $0x1;
	s10 =	sld [smem:$0x3FBA];
	_ =	sdelay $0x3  }
0x37: {  	[smem:$0x3FBA] =	sst s10  }
0x38: {  	s10 =	sld [smem:$0x3FBB]  }
0x39: {  	_ = 	snop;
	(pc) =	sbr.ind lr, $3  }
0x3a: {  	_ = 	snop  }
0x3b: {  	_ = 	snop  }
0x3c: {  	p2 =	seq.s32 s10, $0x1;
	s10 =	sld [smem:$0x3FBA]  }
0x3d: {  	_ =	shalt  }
0x3e: {  	_ =	shalt  }
0x3f: {  	_ =	shalt  }
0x40: {  	_ =	shalt  }
0x41: {  	_ =	shalt  }
0x42: {  	_ =	shalt  }
0x43: {  	_ =	shalt  }
0x44: {  	_ =	shalt  }
0x45: {  	_ =	shalt  }
0x46: {  	_ =	shalt  }
0x47: {  	_ =	shalt  }
0x48: {  	_ =	shalt  }
0x49: {  	_ =	shalt  }
0x4a: {  	_ =	shalt  }
0x4b: {  	_ =	shalt  }
0x4c: {  	_ =	shalt  }
0x4d: {  	_ =	shalt  }
0x4e: {  	_ =	shalt  }
0x4f: {  	_ =	shalt  }
0x50: {  	_ =	shalt  }
0x51: {  	_ =	shalt  }
0x52: {  	_ =	shalt  }
0x53: {  	_ =	shalt  }
0x54: {  	_ =	shalt  }
0x55: {  	_ =	shalt  }
0x56: {  	_ =	shalt  }
0x57: {  	_ =	shalt  }
0x58: {  	_ =	shalt  }
0x59: {  	_ =	shalt  }
0x5a: {  	_ =	shalt  }
0x5b: {  	_ =	shalt  }
0x5c: {  	_ =	shalt  }
0x5d: {  	_ =	shalt  }
0x5e: {  	_ =	shalt  }
0x5f: {  	_ =	shalt  }
0x60: {  	_ =	shalt  }
0x61: {  	_ =	shalt  }
0x62: {  	_ =	shalt  }
0x63: {  	_ =	shalt  }
0x64: {  	_ =	shalt  }
0x65: {  	_ =	shalt  }
0x66: {  	_ =	shalt  }
0x67: {  	_ =	shalt  }
0x68: {  	_ =	shalt  }
0x69: {  	_ =	shalt  }
0x6a: {  	_ =	shalt  }
0x6b: {  	_ =	shalt  }
0x6c: {  	_ =	shalt  }
0x6d: {  	_ =	shalt  }
0x6e: {  	_ =	shalt  }
0x6f: {  	_ =	shalt  }
0x70: {  	_ =	shalt  }
0x71: {  	_ =	shalt  }
0x72: {  	_ =	shalt  }
0x73: {  	_ =	shalt  }
0x74: {  	_ =	shalt  }
0x75: {  	_ =	shalt  }
0x76: {  	_ =	shalt  }
0x77: {  	_ =	shalt  }
0x78: {  	_ =	shalt  }
0x79: {  	_ =	shalt  }
0x7a: {  	_ =	shalt  }
0x7b: {  	_ =	shalt  }
0x7c: {  	_ =	shalt  }
0x7d: {  	_ =	shalt  }
0x7e: {  	_ =	shalt  }
0x7f: {  	_ =	shalt  }
0x80: {  	_ =	shalt  }
0x81: {  	_ =	shalt  }
0x82: {  	_ =	shalt  }
0x83: {  	_ =	shalt  }
0x84: {  	_ =	shalt  }
0x85: {  	_ =	shalt  }
0x86: {  	_ =	shalt  }
0x87: {  	_ =	shalt  }
.Lfunc_end0:
.L_simem_size_0:
called_computation.1_lowered:
.L_overlay_start_0:
0x88: {  	s2 =	sld [smem:$0x3FD9]  }
0x89: {  	s3 =	sld [smem:$0x3FFE];
	_ =	sdelay $0x1  }
0x8a: {  	s1 =	srdreg.scid  }
0x8b: {  	s0 =	sand.u32 $0x1, s1  }
0x8c: {  	s17 =	sshll.u32 s0, $0xA;
	s2 =	sadd.s32 s3, s2  }
0x8d: {  	s2 =	sadd.s32 s2, s17  }
0x8e: {  	[smem:$0x3FC6] =	sst s2  }
0x8f: {  	_ = 	snop  }
0x90: {  	s2 =	sld [smem:$0x3FD0];
	(tm) =	ssettm $0x1  }
0x91: {  	s18 =	sld [smem:$0x3FFB];
	_ =	sdelay $0x3  }
0x92: {  	_ =	strace s18  }
0x93: {  	s3 =	sld [smem:$0x3FFC];
	_ =	sdelay $0x3  }
0x94: {  	_ =	strace s3  }
0x95: {  	s3 =	sld [smem:$0x3FFD];
	_ =	sdelay $0x3  }
0x96: {  	_ =	strace s3  }
0x97: {  	_ =	strace $0x8FFFFFFF  }
0x98: {  	s19 =	sld [smem:$0x3FDB];
	_ =	sdelay $0x1  }
0x99: {  	s4 =	simm.s32 $_scs_section_size  }
0x9a: {  	s5 =	simm.s32 $_size__tile_overlayer_lowered;
	s6 =	simm.s32 $_tile_overlayer_lowered  }
0x9b: {  	s22 =	simm.s32 $0x1BFF;
	s21 =	sshll.u32 s6, $0x1;
	s3 =	sadd.s32 s4, s19  }
0x9c: {  	s7 =	simm.s32 $0x0;
	s20 =	sshll.u32 s5, $0x1;
	s5 =	sadd.s32 s21, s3  }
0x9d: {  	[timem:s7], [sflag:s22] =	dma.local [hbm:s5], s20  }
0x9e: {  	_ =	swait.ge [sflag:s22], s20  }
0x9f: {  	s4 =	ssub.s32 $0x0, s20;
	[sflag:s22] =	ssyncset.done $0x0  }
0xa0: {  	[sflag:s22] =	ssyncadd.s32 s4;
	_ =	sdelay $0x1  }
0xa1: {  	s23 =	simm.s32 $0x1B8B  }
0xa2: {  	_ =	swait.ge [sflag:s23], $0x1  }
0xa3: {  	[sflag:s23] =	ssyncset.done $0x0  }
0xa4: {  	s25 =	simm.s32 $0x1B8E;
	s24 =	sld [smem:$0x3FFE];
	[sflag:s23] =	ssyncadd.s32 $0xFFFFFFFF  }
0xa5: {  	s26 =	simm.s32 $execute0_lowered;
	[smem:$0x3FD2] =	sst s25  }
0xa6: {  	s5 =	sshll.u32 s26, $0x1;
	_ =	strace $0x80000046;
	[dreg:$0x1] =	wrdreg $0xFFFFFFFF  }
0xa7: {  	s28 =	simm.s32 $_size_execute0_lowered;
	s3 =	sadd.s32 s3, s5;
	[dreg:$0x0] =	wrdreg $0x0  }
0xa8: {  	s5 =	sshll.u32 s28, $0x1;
	[dreg:$0x2] =	wrdreg s3  }
0xa9: {  	[dreg:$0x3] =	wrdreg s5  }
0xaa: {  	[dreg:$0x4] =	wrdreg $0xC0  }
0xab: {  	_ =	task [dreg:s7], $0x5FFFF  }
0xac: {  	[dreg:$0x1] =	wrdreg $0xFFFFFFFF  }
0xad: {  	[dreg:$0x0] =	wrdreg $0x60  }
0xae: {  	[dreg:$0x2] =	wrdreg s24  }
0xaf: {  	[dreg:$0x3] =	wrdreg s2  }
0xb0: {  	[dreg:$0x4] =	wrdreg $0x9  }
0xb1: {  	_ =	task.clear_ibuf [dreg:s7], $0x5FFFF;
	_ =	strace $0x90000046  }
0xb2: {  	s29 =	simm.s32 $0x9;
	_ =	strace $0x80000048  }
0xb3: {  	_ =	swait.ge [sflag:s29], $0x1  }
0xb4: {  	[sflag:s29] =	ssyncadd.s32 $0xFFFFFFFF  }
0xb5: {  	_ =	strace $0x90000048  }
0xb6: {  	_ =	sfence  }
0xb7: {  	s30 =	sld [smem:$0x0];
	_ =	sdelay $0x2  }
0xb8: {  	s31 =	sshll.u32 s1, $0xD;
	s1 =	sshrl.u32 s1, $0x2  }
0xb9: {  	s3 =	sand.u32 $0x4000, s31;
	s1 =	sadd.s32 s1, s30  }
0xba: {  	s0 =	sor.u32 s3, s0;
	s1 =	sshll.u32 s1, $0x11  }
0xbb: {  	s0 =	sor.u32 s1, s0  }
0xbc: {  	s0 =	sadd.s32 $0x8F2B, s0  }
0xbd: {  	[sflag:s0] =	ssyncadd.remote.s32 $0x1  }
0xbe: {  	_ =	sfence.sel $0xFFFF  }
0xbf: {  	[dreg:$0x0] =	wrdreg $0xFFFFFFFF;
	(pc) =	sbr.abs _section_cstart, $3  }
0xc0: {  	[dreg:$0x1] =	wrdreg $0xFFFFFFFF  }
0xc1: {  	_ =	task.clear_ibuf [dreg:s7], $0x2FFFF;
	_ =	strace $0x9FFFFFFF  }
0xc2: {  	(tm) =	ssettm $0x7FFFFFFF  }
0xc3: {  	_ =	shalt  }
tec
execute0_lowered:
.L_overlay_start_1:
0x0: {  	(tag) =	ssettag $0x1  }
0x1: {  	s0 =	rddreg [dreg:$0x0]  }
0x2: {  	s2 =	simm.s32 $0x0;
	s1 =	srdreg.scid;
	s5 =	stileid.u32  }
0x3: {  	s10 =	simm.s32 $0x2;
	s11 =	simm.s32 $0x64;
	s12 =	simm.s32 $0x680  }
0x4: {  	s24 =	simm.s32 $0x9C80;
	s28 =	simm.s32 $0x340;
	s29 =	simm.s32 $0xCE80  }
0x5: {  	s30 =	simm.s32 $0x3A8;
	s31 =	simm.s32 $0xE780;
	s9 =	simm.s32 $0x478  }
0x6: {  	s8 =	simm.s32 $0x4E0;
	s13 =	simm.s32 $0x14B80;
	s14 =	simm.s32 $0x5B0  }
0x7: {  	s15 =	simm.s32 $0x16480;
	s16 =	simm.s32 $0x618;
	s17 =	simm.s32 $0x17D80  }
0x8: {  	s18 =	simm.s32 $0x1;
	s20 =	simm.s32 $0x0;
	[smem:$0x7FF] =	sst s2  }
0x9: {  	s1 =	sand.u32 $0x1, s1;
	s4 =	sadd.s32 $0xF43000, s0;
	s6 =	sshll.u32 s5, $0x1  }
0xa: {  	s5 =	sadd.s32 $0xC00, s0;
	s0 =	sadd.s32 $0x7400, s0;
	_ =	strace $0x80000047  }
0xb: {  	s25 =	ssub.s32 $0x2, s1;
	s1 =	sor.u32 s1, s6;
	[dreg:$0x3] =	wrdreg s0  }
0xc: {  	s0 =	simm.s32 $0x410;
	s6 =	simm.s32 $0x11980;
	s3 =	sshrl.u32 s25, $0x1  }
0xd: {  	s7 =	smul.u32 $0x1900, s1;
	s1 =	simm.s32 $0x13280;
	s2 =	ssub.s32 s25, s3  }
0xe: {  	s25 =	simm.s32 $0x2D8;
	s3 =	simm.s32 $0x10080;
	s26 =	smax.u32 s2, $0x1  }
0xf: {  	s2 =	simm.s32 $0x548;
	[dreg:$0x4] =	wrdreg s26;
	s26 =	simm.s32 $0xB580  }
.LBB2_1:
0x10: {  	[dreg:$0x5] =	wrdreg s20  }
0x11: {  	s19 =	simm.s32 $0x0;
	s23 =	rddreg [dreg:$0x3];
	s21 =	simm.s32 $0x19680  }
0x12: {  	[tilespmem:s21], [sflag:$0x2] =	stream.linear.gather [hbm4b:s23+s19], $0x3200, $0x38;
	[tilespmem:$0x1C880] =	vst v63  }
0x13: {  	_ =	swait.ge [sflag:s10], $0x3200  }
0x14: {  	[sflag:s10] =	ssyncset.done $0x0  }
0x15: {  	s19 =	simm.s32 $0x0;
	[sflag:s10] =	ssyncadd.s32 $0xFFFFCE00  }
.LBB2_2:
0x16: {  	s20 =	smul.u32 $0x640, s19;
	_ =	sdelay $0x1  }
0x17: {  	s20 =	sadd.s32 s7, s20  }
0x18: {  	s20 =	smulhi.u32 $0x51EB851F, s20;
	_ =	sdelay $0x1  }
0x19: {  	s21 =	sshrl.u32 s20, $0x5  }
0x1a: {  	s21 =	smul.u32 $0xD, s21;
	_ =	sdelay $0x1  }
0x1b: {  	s22 =	simm.s32 $0x0;
	s21 =	sadd.s32 s5, s21  }
0x1c: {  	[tilespmem:s22], [sflag:$0x2] =	stream.linear.gather [hbm4b:s21+s22], $0x680, $0x38;
	[tilespmem:$0x1C880] =	vst v63  }
0x1d: {  	_ =	swait.ge [sflag:s10], $0x680  }
0x1e: {  	[sflag:s10] =	ssyncset.done $0x0  }
0x1f: {  	[sflag:s10] =	ssyncadd.s32 $0xFFFFF980  }
0x20: {  	[tilespmem:s12], [sflag:$0x1] =	stream.indirect.gather [hbm4b:s4+s11], $0x40, s22, s11, $0xb8;
	[tilespmem:$0x1C880] =	vst v63  }
0x21: {  	s23 =	simm.s32 $0x1F80;
	s22 =	simm.s32 $0x68  }
0x22: {  	[tilespmem:s23], [sflag:$0x1] =	stream.indirect.gather [hbm4b:s4+s11], $0x40, s22, s11, $0xb8;
	[tilespmem:$0x1C880] =	vst v63  }
0x23: {  	s22 =	simm.s32 $0xD0;
	s23 =	simm.s32 $0x3880  }
0x24: {  	[tilespmem:s23], [sflag:$0x1] =	stream.indirect.gather [hbm4b:s4+s11], $0x40, s22, s11, $0xb8;
	[tilespmem:$0x1C880] =	vst v63  }
0x25: {  	s22 =	simm.s32 $0x138;
	s23 =	simm.s32 $0x5180  }
0x26: {  	[tilespmem:s23], [sflag:$0x1] =	stream.indirect.gather [hbm4b:s4+s11], $0x40, s22, s11, $0xb8;
	[tilespmem:$0x1C880] =	vst v63  }
0x27: {  	s22 =	simm.s32 $0x1A0;
	s23 =	simm.s32 $0x6A80  }
0x28: {  	[tilespmem:s23], [sflag:$0x1] =	stream.indirect.gather [hbm4b:s4+s11], $0x40, s22, s11, $0xb8;
	[tilespmem:$0x1C880] =	vst v63  }
0x29: {  	s22 =	simm.s32 $0x208;
	s23 =	simm.s32 $0x8380  }
0x2a: {  	[tilespmem:s23], [sflag:$0x1] =	stream.indirect.gather [hbm4b:s4+s11], $0x40, s22, s11, $0xb8;
	[tilespmem:$0x1C880] =	vst v63  }
0x2b: {  	s23 =	simm.s32 $0x270  }
0x2c: {  	[tilespmem:s24], [sflag:$0x1] =	stream.indirect.gather [hbm4b:s4+s11], $0x40, s23, s11, $0xb8;
	[tilespmem:$0x1C880] =	vst v63  }
0x2d: {  	_ = 	snop  }
0x2e: {  	[tilespmem:s26], [sflag:$0x1] =	stream.indirect.gather [hbm4b:s4+s11], $0x40, s25, s11, $0xb8;
	[tilespmem:$0x1C880] =	vst v63  }
0x2f: {  	_ = 	snop  }
0x30: {  	[tilespmem:s29], [sflag:$0x1] =	stream.indirect.gather [hbm4b:s4+s11], $0x40, s28, s11, $0xb8;
	[tilespmem:$0x1C880] =	vst v63  }
0x31: {  	_ = 	snop  }
0x32: {  	[tilespmem:s31], [sflag:$0x1] =	stream.indirect.gather [hbm4b:s4+s11], $0x40, s30, s11, $0xb8;
	[tilespmem:$0x1C880] =	vst v63  }
0x33: {  	_ = 	snop  }
0x34: {  	[tilespmem:s3], [sflag:$0x1] =	stream.indirect.gather [hbm4b:s4+s11], $0x40, s0, s11, $0xb8;
	[tilespmem:$0x1C880] =	vst v63  }
0x35: {  	_ = 	snop  }
0x36: {  	[tilespmem:s6], [sflag:$0x1] =	stream.indirect.gather [hbm4b:s4+s11], $0x40, s9, s11, $0xb8;
	[tilespmem:$0x1C880] =	vst v63  }
0x37: {  	_ = 	snop  }
0x38: {  	[tilespmem:s1], [sflag:$0x1] =	stream.indirect.gather [hbm4b:s4+s11], $0x40, s8, s11, $0xb8;
	[tilespmem:$0x1C880] =	vst v63  }
0x39: {  	_ = 	snop  }
0x3a: {  	[tilespmem:s13], [sflag:$0x1] =	stream.indirect.gather [hbm4b:s4+s11], $0x40, s2, s11, $0xb8;
	[tilespmem:$0x1C880] =	vst v63  }
0x3b: {  	_ = 	snop  }
0x3c: {  	[tilespmem:s15], [sflag:$0x1] =	stream.indirect.gather [hbm4b:s4+s11], $0x40, s14, s11, $0xb8;
	[tilespmem:$0x1C880] =	vst v63  }
0x3d: {  	_ = 	snop  }
0x3e: {  	[tilespmem:s17], [sflag:$0x1] =	stream.indirect.gather [hbm4b:s4+s11], $0x40, s16, s11, $0xb8;
	[tilespmem:$0x1C880] =	vst v63  }
0x3f: {  	_ =	swait.ge [sflag:s18], $0x1900  }
0x40: {  	[sflag:s18] =	ssyncset.done $0x0  }
0x41: {  	[sflag:s18] =	ssyncadd.s32 $0xFFFFE700  }
0x42: {  	_ =	swait.ge [sflag:s18], $0x1900  }
0x43: {  	[sflag:s18] =	ssyncset.done $0x0  }
0x44: {  	[sflag:s18] =	ssyncadd.s32 $0xFFFFE700  }
0x45: {  	_ =	swait.ge [sflag:s18], $0x1900  }
0x46: {  	[sflag:s18] =	ssyncset.done $0x0  }
0x47: {  	[sflag:s18] =	ssyncadd.s32 $0xFFFFE700  }
0x48: {  	_ =	swait.ge [sflag:s18], $0x1900  }
0x49: {  	[sflag:s18] =	ssyncset.done $0x0  }
0x4a: {  	[sflag:s18] =	ssyncadd.s32 $0xFFFFE700  }
0x4b: {  	_ =	swait.ge [sflag:s18], $0x1900  }
0x4c: {  	[sflag:s18] =	ssyncset.done $0x0  }
0x4d: {  	[sflag:s18] =	ssyncadd.s32 $0xFFFFE700  }
0x4e: {  	_ =	swait.ge [sflag:s18], $0x1900  }
0x4f: {  	[sflag:s18] =	ssyncset.done $0x0  }
0x50: {  	[sflag:s18] =	ssyncadd.s32 $0xFFFFE700  }
0x51: {  	_ =	swait.ge [sflag:s18], $0x1900  }
0x52: {  	[sflag:s18] =	ssyncset.done $0x0  }
0x53: {  	[sflag:s18] =	ssyncadd.s32 $0xFFFFE700  }
0x54: {  	_ =	swait.ge [sflag:s18], $0x1900  }
0x55: {  	[sflag:s18] =	ssyncset.done $0x0  }
0x56: {  	[sflag:s18] =	ssyncadd.s32 $0xFFFFE700  }
0x57: {  	_ =	swait.ge [sflag:s18], $0x1900  }
0x58: {  	[sflag:s18] =	ssyncset.done $0x0  }
0x59: {  	[sflag:s18] =	ssyncadd.s32 $0xFFFFE700  }
0x5a: {  	_ =	swait.ge [sflag:s18], $0x1900  }
0x5b: {  	[sflag:s18] =	ssyncset.done $0x0  }
0x5c: {  	[sflag:s18] =	ssyncadd.s32 $0xFFFFE700  }
0x5d: {  	_ =	swait.ge [sflag:s18], $0x1900  }
0x5e: {  	[sflag:s18] =	ssyncset.done $0x0  }
0x5f: {  	[sflag:s18] =	ssyncadd.s32 $0xFFFFE700  }
0x60: {  	_ =	swait.ge [sflag:s18], $0x1900  }
0x61: {  	[sflag:s18] =	ssyncset.done $0x0  }
0x62: {  	[sflag:s18] =	ssyncadd.s32 $0xFFFFE700  }
0x63: {  	_ =	swait.ge [sflag:s18], $0x1900  }
0x64: {  	[sflag:s18] =	ssyncset.done $0x0  }
0x65: {  	[sflag:s18] =	ssyncadd.s32 $0xFFFFE700  }
0x66: {  	_ =	swait.ge [sflag:s18], $0x1900  }
0x67: {  	[sflag:s18] =	ssyncset.done $0x0  }
0x68: {  	[sflag:s18] =	ssyncadd.s32 $0xFFFFE700  }
0x69: {  	_ =	swait.ge [sflag:s18], $0x1900  }
0x6a: {  	[sflag:s18] =	ssyncset.done $0x0  }
0x6b: {  	[sflag:s18] =	ssyncadd.s32 $0xFFFFE700  }
0x6c: {  	_ =	swait.ge [sflag:s18], $0x1900  }
0x6d: {  	[sflag:s18] =	ssyncset.done $0x0  }
0x6e: {  	s21 =	simm.s32 $0x0;
	[sflag:s18] =	ssyncadd.s32 $0xFFFFE700  }
0x6f: {  	v0 =	vld [tilespmem:s21+$0x196B0]  }
0x70: {  	v1 =	vld [tilespmem:s21+$0x19680];
	_ =	sdelay $0x1  }
0x71: {  	v2 =	vld [tilespmem:s21+$0x19690]  }
0x72: {  	v3 =	vld [tilespmem:s21+$0x196A0]  }
0x73: {  	[tilespmem:s21+$0x164B0] =	vst.add.f32.msk $0xffff, v0  }
0x74: {  	[tilespmem:s21+$0x680] =	vst.add.f32.msk $0xffff, v1  }
0x75: {  	[tilespmem:s21+$0x3880] =	vst.add.f32.msk $0xffff, v1  }
0x76: {  	[tilespmem:s21+$0x6A80] =	vst.add.f32.msk $0xffff, v1  }
0x77: {  	[tilespmem:s21+$0x9C80] =	vst.add.f32.msk $0xffff, v1  }
0x78: {  	[tilespmem:s21+$0xCE80] =	vst.add.f32.msk $0xffff, v1  }
0x79: {  	[tilespmem:s21+$0x10080] =	vst.add.f32.msk $0xffff, v1  }
0x7a: {  	[tilespmem:s21+$0x13280] =	vst.add.f32.msk $0xffff, v1  }
0x7b: {  	[tilespmem:s21+$0x16480] =	vst.add.f32.msk $0xffff, v1  }
0x7c: {  	[tilespmem:s21+$0x690] =	vst.add.f32.msk $0xffff, v2  }
0x7d: {  	[tilespmem:s21+$0x3890] =	vst.add.f32.msk $0xffff, v2  }
0x7e: {  	[tilespmem:s21+$0x6A90] =	vst.add.f32.msk $0xffff, v2  }
0x7f: {  	[tilespmem:s21+$0x9C90] =	vst.add.f32.msk $0xffff, v2  }
0x80: {  	[tilespmem:s21+$0xCE90] =	vst.add.f32.msk $0xffff, v2  }
0x81: {  	[tilespmem:s21+$0x10090] =	vst.add.f32.msk $0xffff, v2  }
0x82: {  	[tilespmem:s21+$0x13290] =	vst.add.f32.msk $0xffff, v2  }
0x83: {  	[tilespmem:s21+$0x16490] =	vst.add.f32.msk $0xffff, v2  }
0x84: {  	[tilespmem:s21+$0x6A0] =	vst.add.f32.msk $0xffff, v3  }
0x85: {  	[tilespmem:s21+$0x38A0] =	vst.add.f32.msk $0xffff, v3  }
0x86: {  	[tilespmem:s21+$0x6AA0] =	vst.add.f32.msk $0xffff, v3  }
0x87: {  	[tilespmem:s21+$0x9CA0] =	vst.add.f32.msk $0xffff, v3  }
0x88: {  	[tilespmem:s21+$0xCEA0] =	vst.add.f32.msk $0xffff, v3  }
0x89: {  	[tilespmem:s21+$0x100A0] =	vst.add.f32.msk $0xffff, v3  }
0x8a: {  	[tilespmem:s21+$0x132A0] =	vst.add.f32.msk $0xffff, v3  }
0x8b: {  	[tilespmem:s21+$0x164A0] =	vst.add.f32.msk $0xffff, v3  }
0x8c: {  	[tilespmem:s21+$0x6B0] =	vst.add.f32.msk $0xffff, v0  }
0x8d: {  	[tilespmem:s21+$0x38B0] =	vst.add.f32.msk $0xffff, v0  }
0x8e: {  	[tilespmem:s21+$0x6AB0] =	vst.add.f32.msk $0xffff, v0  }
0x8f: {  	[tilespmem:s21+$0x9CB0] =	vst.add.f32.msk $0xffff, v0  }
0x90: {  	[tilespmem:s21+$0xCEB0] =	vst.add.f32.msk $0xffff, v0  }
0x91: {  	s22 =	simm.s32 $0x200;
	s23 =	simm.s32 $0x40;
	[tilespmem:s21+$0x100B0] =	vst.add.f32.msk $0xffff, v0  }
.LBB2_3:
0x92: {  	p0 =	sne.s32 s22, $0xC700;
	v1 =	vld [tilespmem:s23+$0x196B0]  }
0x93: {  	v2 =	vld [tilespmem:s23+$0x19680]  }
0x94: {  	v3 =	vld [tilespmem:s23+$0x19690]  }
0x95: {  	v4 =	vld [tilespmem:s23+$0x196A0]  }
0x96: {  	[tilespmem:s21+$0x132B0] =	vst.add.f32.msk $0xffff, v0;
	s21 =	smov.u32 s23  }
0x97: {  	[tilespmem:s21+$0x164B0] =	vst.add.f32.msk $0xffff, v1;
	v0 =	vmov v1  }
0x98: {  	[tilespmem:s21+$0x680] =	vst.add.f32.msk $0xffff, v2  }
0x99: {  	[tilespmem:s21+$0x3880] =	vst.add.f32.msk $0xffff, v2  }
0x9a: {  	[tilespmem:s21+$0x6A80] =	vst.add.f32.msk $0xffff, v2  }
0x9b: {  	[tilespmem:s21+$0x9C80] =	vst.add.f32.msk $0xffff, v2  }
0x9c: {  	[tilespmem:s21+$0xCE80] =	vst.add.f32.msk $0xffff, v2  }
0x9d: {  	[tilespmem:s21+$0x10080] =	vst.add.f32.msk $0xffff, v2  }
0x9e: {  	[tilespmem:s21+$0x13280] =	vst.add.f32.msk $0xffff, v2  }
0x9f: {  	[tilespmem:s21+$0x16480] =	vst.add.f32.msk $0xffff, v2  }
0xa0: {  	[tilespmem:s21+$0x690] =	vst.add.f32.msk $0xffff, v3  }
0xa1: {  	[tilespmem:s21+$0x3890] =	vst.add.f32.msk $0xffff, v3  }
0xa2: {  	[tilespmem:s21+$0x6A90] =	vst.add.f32.msk $0xffff, v3  }
0xa3: {  	[tilespmem:s21+$0x9C90] =	vst.add.f32.msk $0xffff, v3  }
0xa4: {  	[tilespmem:s21+$0xCE90] =	vst.add.f32.msk $0xffff, v3  }
0xa5: {  	[tilespmem:s21+$0x10090] =	vst.add.f32.msk $0xffff, v3  }
0xa6: {  	[tilespmem:s21+$0x13290] =	vst.add.f32.msk $0xffff, v3  }
0xa7: {  	[tilespmem:s21+$0x16490] =	vst.add.f32.msk $0xffff, v3  }
0xa8: {  	[tilespmem:s21+$0x6A0] =	vst.add.f32.msk $0xffff, v4  }
0xa9: {  	[tilespmem:s21+$0x38A0] =	vst.add.f32.msk $0xffff, v4  }
0xaa: {  	[tilespmem:s21+$0x6AA0] =	vst.add.f32.msk $0xffff, v4  }
0xab: {  	[tilespmem:s21+$0x9CA0] =	vst.add.f32.msk $0xffff, v4  }
0xac: {  	[tilespmem:s21+$0xCEA0] =	vst.add.f32.msk $0xffff, v4  }
0xad: {  	[tilespmem:s21+$0x100A0] =	vst.add.f32.msk $0xffff, v4  }
0xae: {  	[tilespmem:s21+$0x132A0] =	vst.add.f32.msk $0xffff, v4  }
0xaf: {  	[tilespmem:s21+$0x164A0] =	vst.add.f32.msk $0xffff, v4  }
0xb0: {  	[tilespmem:s21+$0x6B0] =	vst.add.f32.msk $0xffff, v0  }
.Ltmp0:
0xb1: {  	[tilespmem:s21+$0x38B0] =	vst.add.f32.msk $0xffff, v0;
	(pc) =	sbr.rel @p0 .LBB2_3-.Ltmp0, $4  }
0xb2: {  	[tilespmem:s21+$0x6AB0] =	vst.add.f32.msk $0xffff, v0  }
0xb3: {  	[tilespmem:s21+$0x9CB0] =	vst.add.f32.msk $0xffff, v0  }
0xb4: {  	[tilespmem:s21+$0xCEB0] =	vst.add.f32.msk $0xffff, v0  }
0xb5: {  	s23 =	sshra.s32 s22, $0x2;
	s22 =	sadd.s32 $0x100, s22;
	[tilespmem:s21+$0x100B0] =	vst.add.f32.msk $0xffff, v0  }
0xb6: {  	v1 =	vld [tilespmem:s23+$0x196B0]  }
0xb7: {  	v2 =	vld [tilespmem:s23+$0x19680]  }
0xb8: {  	v3 =	vld [tilespmem:s23+$0x19690]  }
0xb9: {  	v4 =	vld [tilespmem:s23+$0x196A0]  }
0xba: {  	[tilespmem:s21+$0x132B0] =	vst.add.f32.msk $0xffff, v0  }
0xbb: {  	[tilespmem:s23+$0x164B0] =	vst.add.f32.msk $0xffff, v1  }
0xbc: {  	[tilespmem:s23+$0x680] =	vst.add.f32.msk $0xffff, v2  }
0xbd: {  	[tilespmem:s23+$0x3880] =	vst.add.f32.msk $0xffff, v2  }
0xbe: {  	[tilespmem:s23+$0x6A80] =	vst.add.f32.msk $0xffff, v2  }
0xbf: {  	[tilespmem:s23+$0x9C80] =	vst.add.f32.msk $0xffff, v2  }
0xc0: {  	[tilespmem:s23+$0xCE80] =	vst.add.f32.msk $0xffff, v2  }
0xc1: {  	[tilespmem:s23+$0x10080] =	vst.add.f32.msk $0xffff, v2  }
0xc2: {  	[tilespmem:s23+$0x13280] =	vst.add.f32.msk $0xffff, v2  }
0xc3: {  	[tilespmem:s23+$0x16480] =	vst.add.f32.msk $0xffff, v2  }
0xc4: {  	[tilespmem:s23+$0x690] =	vst.add.f32.msk $0xffff, v3  }
0xc5: {  	[tilespmem:s23+$0x3890] =	vst.add.f32.msk $0xffff, v3  }
0xc6: {  	[tilespmem:s23+$0x6A90] =	vst.add.f32.msk $0xffff, v3  }
0xc7: {  	[tilespmem:s23+$0x9C90] =	vst.add.f32.msk $0xffff, v3  }
0xc8: {  	[tilespmem:s23+$0xCE90] =	vst.add.f32.msk $0xffff, v3  }
0xc9: {  	[tilespmem:s23+$0x10090] =	vst.add.f32.msk $0xffff, v3  }
0xca: {  	[tilespmem:s23+$0x13290] =	vst.add.f32.msk $0xffff, v3  }
0xcb: {  	[tilespmem:s23+$0x16490] =	vst.add.f32.msk $0xffff, v3  }
0xcc: {  	[tilespmem:s23+$0x6A0] =	vst.add.f32.msk $0xffff, v4  }
0xcd: {  	[tilespmem:s23+$0x38A0] =	vst.add.f32.msk $0xffff, v4  }
0xce: {  	[tilespmem:s23+$0x6AA0] =	vst.add.f32.msk $0xffff, v4  }
0xcf: {  	[tilespmem:s23+$0x9CA0] =	vst.add.f32.msk $0xffff, v4  }
0xd0: {  	[tilespmem:s23+$0xCEA0] =	vst.add.f32.msk $0xffff, v4  }
0xd1: {  	[tilespmem:s23+$0x100A0] =	vst.add.f32.msk $0xffff, v4  }
0xd2: {  	[tilespmem:s23+$0x132A0] =	vst.add.f32.msk $0xffff, v4  }
0xd3: {  	[tilespmem:s23+$0x164A0] =	vst.add.f32.msk $0xffff, v4  }
0xd4: {  	[tilespmem:s23+$0x6B0] =	vst.add.f32.msk $0xffff, v1  }
0xd5: {  	[tilespmem:s23+$0x38B0] =	vst.add.f32.msk $0xffff, v1  }
0xd6: {  	[tilespmem:s23+$0x6AB0] =	vst.add.f32.msk $0xffff, v1  }
0xd7: {  	s20 =	sshrl.u32 s20, $0x6;
	[tilespmem:s23+$0x9CB0] =	vst.add.f32.msk $0xffff, v1  }
0xd8: {  	s19 =	sadd.s32 $0x1, s19;
	s20 =	smul.u32 $0x640, s20;
	[tilespmem:s23+$0xCEB0] =	vst.add.f32.msk $0xffff, v1  }
0xd9: {  	s22 =	rddreg [dreg:$0x1];
	p0 =	sne.s32 s19, $0x4;
	[tilespmem:s23+$0x100B0] =	vst.add.f32.msk $0xffff, v1  }
.Ltmp1:
0xda: {  	s20 =	sadd.s32 s22, s20;
	[tilespmem:s23+$0x132B0] =	vst.add.f32.msk $0xffff, v1;
	s23 =	simm.s32 $0x0;
	(pc) =	sbr.rel @p0 .LBB2_2-.Ltmp1, $4  }
0xdb: {  	[hbm4b:s20+s23] =	stream.linear.scatter [tilespmem:s12], [sflag:$0x2], $0x19000, $0x38;
	[tilespmem:$0x1C880] =	vst v63  }
0xdc: {  	_ =	swait.ge [sflag:s10], $0x19000  }
0xdd: {  	[sflag:s10] =	ssyncset.done $0x0  }
0xde: {  	[sflag:s10] =	ssyncadd.s32 $0xFFFE7000  }
0xdf: {  	s20 =	rddreg [dreg:$0x5]  }
0xe0: {  	s19 =	rddreg [dreg:$0x4];
	s20 =	sadd.s32 $0x1, s20  }
0xe1: {  	p0 =	sne.s32 s20, s19  }
.Ltmp2:
0xe2: {  	_ = 	snop;
	(pc) =	sbr.rel @p0 .LBB2_1-.Ltmp2, $1  }
0xe3: {  	_ =	sdelay $0x3  }
0xe4: {  	_ =	sfence.sel $0x180000  }
0xe5: {  	[bflag:$0x0] =	sbarrier.arrive $0xFFFF  }
0xe6: {  	_ =	strace $0x90000047  }
0xe7: {  	s0 =	stileid.u32;
	[bflag:$0x2] =	sbarrier.arrive $0xFFFF  }
0xe8: {  	p0 =	sne.s32 s0, $0x0;
	s0 =	rddreg [dreg:$0x2]  }
0xe9: {  	s0 =	sadd.s32 @!p0 $0x100000, s0  }
0xea: {  	[sflag:s0] =	ssyncadd.tile.s32 @!p0 $0x1;
	_ =	shalt  }
.Lfunc_end2:
_tile_overlayer_lowered:
.L_overlay_start_2:
0xeb: {  	(tag) =	ssettag $0x2  }
0xec: {  	s0 =	rddreg [dreg:$0x0];
	s2 =	stileid.u32  }
0xed: {  	s1 =	rddreg [dreg:$0x1];
	p0 =	sne.s32 s2, $0x0  }
0xee: {  	s3 =	rddreg [dreg:$0x2];
	[bflag:$0x3] =	sbarrier.arrive $0xFFFF;
	s2 =	simm.s32 @!p0 $0x1C02  }
0xef: {  	[timem:s3], [sflag:s2] =	dma.local @!p0 [hbm:s0], s1  }
0xf0: {  	s0 =	simm.s32 @!p0 $0x2  }
0xf1: {  	_ =	swait.ge @!p0 [sflag:s0], s1  }
0xf2: {  	s1 =	ssub.s32 @!p0 $0x0, s1;
	[sflag:s0] =	ssyncset.done @!p0 $0x0  }
0xf3: {  	[sflag:s0] =	ssyncadd.s32 @!p0 s1  }
0xf4: {  	[bflag:$0x3] =	sbarrier.arrive $0xFFFF  }
0xf5: {  	_ =	shalt  }

// kernel: sparse-core-data-format-call.cloned.1.call-start
scs
called_computation_lowered:
.L_overlay_start_0:
0x0: {  	s2 =	sld [smem:$0x3FD9]  }
0x1: {  	s3 =	sld [smem:$0x3FFE];
	_ =	sdelay $0x1  }
0x2: {  	s1 =	srdreg.scid  }
0x3: {  	s0 =	sand.u32 $0x1, s1  }
0x4: {  	s18 =	sshll.u32 s0, $0xA;
	s2 =	sadd.s32 s3, s2  }
0x5: {  	s2 =	sadd.s32 s2, s18  }
0x6: {  	[smem:$0x3FC6] =	sst s2  }
0x7: {  	_ = 	snop  }
0x8: {  	s2 =	sld [smem:$0x3FD0];
	(tm) =	ssettm $0x1  }
0x9: {  	s19 =	sld [smem:$0x3FFB];
	_ =	sdelay $0x3  }
0xa: {  	_ =	strace s19  }
0xb: {  	s3 =	sld [smem:$0x3FFC];
	_ =	sdelay $0x3  }
0xc: {  	_ =	strace s3  }
0xd: {  	s3 =	sld [smem:$0x3FFD];
	_ =	sdelay $0x3  }
0xe: {  	_ =	strace s3  }
0xf: {  	_ =	strace $0x8FFFFFFF  }
0x10: {  	s20 =	sld [smem:$0x3FDB];
	_ =	sdelay $0x1  }
0x11: {  	s4 =	simm.s32 $_scs_section_size  }
0x12: {  	s5 =	simm.s32 $_size__tile_overlayer_lowered;
	s6 =	simm.s32 $_tile_overlayer_lowered  }
0x13: {  	s23 =	simm.s32 $0x1BFF;
	s22 =	sshll.u32 s6, $0x1;
	s3 =	sadd.s32 s4, s20  }
0x14: {  	s7 =	simm.s32 $0x0;
	s21 =	sshll.u32 s5, $0x1;
	s5 =	sadd.s32 s22, s3  }
0x15: {  	[timem:s7], [sflag:s23] =	dma.local [hbm:s5], s21  }
0x16: {  	_ =	swait.ge [sflag:s23], s21  }
0x17: {  	s4 =	ssub.s32 $0x0, s21;
	[sflag:s23] =	ssyncset.done $0x0  }
0x18: {  	[sflag:s23] =	ssyncadd.s32 s4;
	_ =	sdelay $0x1  }
0x19: {  	s24 =	simm.s32 $0x1B8B  }
0x1a: {  	_ =	swait.ge [sflag:s24], $0x1  }
0x1b: {  	[sflag:s24] =	ssyncset.done $0x0  }
0x1c: {  	s26 =	simm.s32 $0x1B8E;
	s25 =	sld [smem:$0x3FFE];
	[sflag:s24] =	ssyncadd.s32 $0xFFFFFFFF  }
0x1d: {  	s27 =	simm.s32 $execute0_lowered;
	[smem:$0x3FD2] =	sst s26  }
0x1e: {  	s5 =	sshll.u32 s27, $0x1;
	_ =	strace $0x80000049;
	[dreg:$0x1] =	wrdreg $0xFFFFFFFF  }
0x1f: {  	s28 =	simm.s32 $_size_execute0_lowered;
	s3 =	sadd.s32 s3, s5;
	[dreg:$0x0] =	wrdreg $0x0  }
0x20: {  	s5 =	sshll.u32 s28, $0x1;
	[dreg:$0x2] =	wrdreg s3  }
0x21: {  	[dreg:$0x3] =	wrdreg s5  }
0x22: {  	[dreg:$0x4] =	wrdreg $0xC0  }
0x23: {  	_ =	task [dreg:s7], $0x5FFFF  }
0x24: {  	[dreg:$0x1] =	wrdreg $0xFFFFFFFF  }
0x25: {  	[dreg:$0x0] =	wrdreg $0x60  }
0x26: {  	[dreg:$0x2] =	wrdreg s25  }
0x27: {  	[dreg:$0x3] =	wrdreg s2  }
0x28: {  	[dreg:$0x4] =	wrdreg $0x9  }
0x29: {  	_ =	task.clear_ibuf [dreg:s7], $0x5FFFF;
	_ =	strace $0x90000049  }
0x2a: {  	s29 =	simm.s32 $0x9;
	_ =	strace $0x8000004B  }
0x2b: {  	_ =	swait.ge [sflag:s29], $0x1  }
0x2c: {  	[sflag:s29] =	ssyncadd.s32 $0xFFFFFFFF  }
0x2d: {  	_ =	strace $0x9000004B  }
0x2e: {  	_ =	sfence  }
0x2f: {  	s30 =	sld [smem:$0x0];
	_ =	sdelay $0x2  }
0x30: {  	s31 =	sshll.u32 s1, $0xD;
	s1 =	sshrl.u32 s1, $0x2  }
0x31: {  	s3 =	sand.u32 $0x4000, s31;
	s1 =	sadd.s32 s1, s30  }
0x32: {  	s0 =	sor.u32 s3, s0;
	s1 =	sshll.u32 s1, $0x11  }
0x33: {  	s0 =	sor.u32 s1, s0  }
0x34: {  	s0 =	sadd.s32 $0x8F2B, s0  }
0x35: {  	[sflag:s0] =	ssyncadd.remote.s32 $0x1  }
0x36: {  	_ =	sfence.sel $0xFFFF  }
0x37: {  	[dreg:$0x0] =	wrdreg $0xFFFFFFFF;
	(pc) =	sbr.abs _section_cstart, $3  }
0x38: {  	[dreg:$0x1] =	wrdreg $0xFFFFFFFF  }
0x39: {  	_ =	task.clear_ibuf [dreg:s7], $0x2FFFF;
	_ =	strace $0x9FFFFFFF  }
0x3a: {  	(tm) =	ssettm $0x7FFFFFFF  }
0x3b: {  	_ =	shalt  }
tec
execute0_lowered:
.L_overlay_start_1:
0x0: {  	(tag) =	ssettag $0x1  }
0x1: {  	s0 =	stileid.u32;
	s6 =	rddreg [dreg:$0x0]  }
0x2: {  	s2 =	rddreg [dreg:$0x1];
	s5 =	srdreg.scid  }
0x3: {  	s31 =	simm.s32 $0x2;
	s13 =	simm.s32 $0x0;
	s1 =	sshll.u32 s0, $0x7  }
0x4: {  	s14 =	simm.s32 $0x0;
	s12 =	simm.s32 $0x0;
	s3 =	sand.u32 $0x380, s1  }
0x5: {  	s5 =	sshll.u32 s5, $0x4;
	s6 =	sadd.s32 $0xC00, s6;
	s4 =	ssub.s32 $0x400, s3  }
0x6: {  	s1 =	rddreg [dreg:$0x2];
	_ =	strace $0x8000004A;
	s7 =	sand.u32 $0x380, s4  }
0x7: {  	s5 =	sand.u32 $0x10, s5;
	p0 =	sne.s32 s7, $0x0;
	s7 =	simm.s32 $0x1  }
.Ltmp0:
0x8: {  	s8 =	sshrl.u32 s4, $0xA;
	s7 =	simm.s32 @!p0 $0x0;
	(pc) =	sbr.rel .LBB1_1-.Ltmp0, $4  }
0x9: {  	s9 =	sor.u32 s0, s5;
	s4 =	simm.s32 $0x1;
	s30 =	sadd.s32 s7, s8  }
0xa: {  	s11 =	smov.u32 s3;
	[sflag:s4] =	ssyncpa.u1 $0x0;
	s5 =	smul.u32 $0x32, s30  }
0xb: {  	[sflag:s31] =	ssyncpa.u1 $0x0;
	p0 =	por $0x0, $0x0;
	s7 =	sshrl.u32 s9, $0x3  }
0xc: {  	s9 =	simm.s32 $0x2000;
	s10 =	smov.u32 s7;
	s8 =	sor.u32 $0x1, s5  }
.LBB1_4:
0xd: {  	s17 =	sand.u32 $0x1F80, s14;
	s13 =	sshll.u32 s13, $0xD  }
0xe: {  	[tilespmem:s16+$0x810 ss:$0x81] =	vst.msk $0xffff, v2;
	s18 =	sshrl.u32 s14, $0x3;
	s31 =	sand.u32 $0x7, s14;
	s17 =	sadd.s32 s2, s17  }
0xf: {  	[tilespmem:s16+$0x1020 ss:$0x81] =	vst.msk $0xffff, v0;
	s18 =	sand.u32 $0xF, s18;
	s14 =	sshll.u32 s31, $0x12;
	s13 =	sadd.s32 s13, s17  }
0x10: {  	[tilespmem:s16+$0x0 ss:$0x81] =	vst.msk $0xffff, v1;
	s14 =	sor.u32 $0x400, s14;
	s13 =	sadd.s32 s18, s13  }
0x11: {  	[hbm4b:s13+s14] =	stream.strided.scatter [tilespmem:s15], [sflag:$0x2], $0x2000, s9, s14, $0x20;
	[tilespmem:$0x8080] =	vst v63  }
.LBB1_5:
0x12: {  	s15 =	sadd.s32 $0x4, s10  }
0x13: {  	s13 =	sadd.s32 $0x400, s11;
	s17 =	smov.u32 s11;
	p2 =	sgt.s32 s15, $0xC7  }
0x14: {  	s17 =	smov.u32 @p2 s13  }
0x15: {  	s15 =	smov.u32 @p2 s7;
	p2 =	sgt.s32 s17, $0x3FF  }
0x16: {  	s17 =	smov.u32 @p2 s3;
	p2 =	sne.s32 s12, s8  }
.Ltmp1:
0x17: {  	p1 =	slt.u32 s12, $0x2;
	(pc) =	sbr.rel @!p2 .LBB1_6-.Ltmp1, $4  }
0x18: {  	s16 =	simm.s32 @!p1 $0x2  }
0x19: {  	s14 =	smov.u32 s11;
	p0 =	por !p0, !p0;
	_ =	swait.ge @!p1 [sflag:s16], $0x2000  }
0x1a: {  	s13 =	smov.u32 s10;
	[sflag:s16] =	ssyncset.done @!p1 $0x0;
	s10 =	smov.u32 s15  }
0x1b: {  	s12 =	sadd.s32 $0x1, s12;
	[sflag:s16] =	ssyncadd.s32 @!p1 $0xFFFFE000;
	s11 =	smov.u32 s17  }
.LBB1_1:
0x1c: {  	p1 =	sge.u32 s12, s5  }
0x1d: {  	s15 =	sand.u32 @!p1 $0x1FFFFFF, s10  }
0x1e: {  	s16 =	smulhi.u32 @!p1 $0x147AE15, s15;
	_ =	sdelay $0x1  }
0x1f: {  	s16 =	smul.u32 @!p1 $0xC8, s16  }
0x20: {  	s17 =	sxor.u32 @!p1 $0xFFFFFFFF, s12;
	s18 =	smul.u32 @!p1 $0xC80, s11  }
0x21: {  	s31 =	sadd.s32 $0xFFFFFFFF, s12;
	s17 =	sshll.u32 @!p1 s17, $0xD;
	s15 =	ssub.s32 @!p1 s15, s16  }
0x22: {  	s16 =	sand.u32 @!p1 $0x2000, s17;
	s17 =	sadd.s32 @!p1 s6, s18;
	s15 =	sshll.u32 @!p1 s15, $0x4  }
0x23: {  	s18 =	simm.s32 @!p1 $0x6400;
	s15 =	sadd.s32 @!p1 s15, s17;
	s17 =	simm.s32 @!p1 $0x40  }
0x24: {  	[tilespmem:s16], [sflag:$0x1] =	stream.strided.gather @!p1 [hbm4b:s15+s17], $0x2000, s18, s17, $0x38;
	[tilespmem:$0x8080] =	vst v63  }
0x25: {  	p1 =	sge.u32 s31, s5  }
.Ltmp2:
0x26: {  	_ = 	snop;
	(pc) =	sbr.rel @p1 .LBB1_5-.Ltmp2, $1  }
0x27: {  	_ =	sdelay $0x3  }
0x28: {  	s15 =	simm.s32 $0x1  }
0x29: {  	_ =	swait.ge [sflag:s4], $0x2000;
	s15 =	simm.s32 @!p0 $0x0  }
0x2a: {  	[sflag:s4] =	ssyncset.done $0x0;
	s16 =	sshll.u32 s15, $0xD  }
0x2b: {  	[sflag:s4] =	ssyncadd.s32 $0xFFFFE000;
	s19 =	sor.u32 $0x20, s16  }
0x2c: {  	s15 =	smul.u32 $0x8100, s15;
	v3 =	vld [tilespmem:s19+$0x10]  }
0x2d: {  	s30 =	sand.u32 $0x1, s12;
	v2 =	vld [tilespmem:s19+$0xFFFFFFF0]  }
0x2e: {  	s16 =	smul.u32 $0x8100, s30;
	s15 =	sshrl.u32 s15, $0x2;
	v0 =	vld [tilespmem:s19+$0x0]  }
0x2f: {  	v1 =	vld [tilespmem:s19+$0xFFFFFFE0];
	s17 =	sor.u32 $0x4000, s15  }
0x30: {  	s31 =	sshrl.u32 s16, $0x2;
	s16 =	sadd.s32 $0x0, s17  }
0x31: {  	s18 =	simm.s32 $0x4;
	s19 =	sadd.s32 $0x40, s19;
	s15 =	sor.u32 $0x4000, s31;
	[tilespmem:s16+$0x1830 ss:$0x81] =	vst.msk $0xffff, v3  }
.LBB1_3:
0x32: {  	v3 =	vld [tilespmem:s19+$0x10];
	p1 =	sne.s32 s18, $0x1FC;
	[tilespmem:s16+$0x810 ss:$0x81] =	vst.msk $0xffff, v2;
	s20 =	smov.u32 s18;
	s18 =	sadd.s32 $0x4, s18  }
.Ltmp3:
0x33: {  	v2 =	vld [tilespmem:s19+$0xFFFFFFF0];
	[tilespmem:s16+$0x1020 ss:$0x81] =	vst.msk $0xffff, v0;
	(pc) =	sbr.rel @p1 .LBB1_3-.Ltmp3, $4  }
0x34: {  	v0 =	vld [tilespmem:s19+$0x0];
	[tilespmem:s16+$0x0 ss:$0x81] =	vst.msk $0xffff, v1  }
0x35: {  	s16 =	sshra.s32 s20, $0x2;
	v1 =	vld [tilespmem:s19+$0xFFFFFFE0]  }
0x36: {  	s16 =	sadd.s32 s16, s17  }
0x37: {  	s19 =	sadd.s32 $0x40, s19;
	[tilespmem:s16+$0x1830 ss:$0x81] =	vst.msk $0xffff, v3  }
.Ltmp4:
0x38: {  	_ = 	snop;
	(pc) =	sbr.rel .LBB1_4-.Ltmp4, $1  }
0x39: {  	_ =	sdelay $0x3  }
.LBB1_6:
0x3a: {  	_ =	sfence.sel $0x180000  }
0x3b: {  	s2 =	simm.s32 $0x1;
	[bflag:$0x0] =	sbarrier.arrive $0xFFFF  }
0x3c: {  	s31 =	simm.s32 $0x2;
	[sflag:s2] =	ssyncpa.u1 $0x1  }
0x3d: {  	[sflag:s31] =	ssyncpa.u1 $0x1  }
0x3e: {  	p0 =	sne.s32 s0, $0x0;
	_ =	strace $0x9000004A  }
0x3f: {  	s0 =	sadd.s32 @!p0 $0x100000, s1;
	[bflag:$0x2] =	sbarrier.arrive $0xFFFF  }
0x40: {  	[sflag:s0] =	ssyncadd.tile.s32 @!p0 $0x1;
	_ =	shalt  }
.Lfunc_end1:
_tile_overlayer_lowered:
.L_overlay_start_2:
0x41: {  	(tag) =	ssettag $0x2  }
0x42: {  	s0 =	rddreg [dreg:$0x0];
	s2 =	stileid.u32  }
0x43: {  	s1 =	rddreg [dreg:$0x1];
	p0 =	sne.s32 s2, $0x0  }
0x44: {  	s3 =	rddreg [dreg:$0x2];
	[bflag:$0x3] =	sbarrier.arrive $0xFFFF;
	s2 =	simm.s32 @!p0 $0x1C01  }
0x45: {  	[timem:s3], [sflag:s2] =	dma.local @!p0 [hbm:s0], s1  }
0x46: {  	s0 =	simm.s32 @!p0 $0x1  }
0x47: {  	_ =	swait.ge @!p0 [sflag:s0], s1  }
0x48: {  	s1 =	ssub.s32 @!p0 $0x0, s1;
	[sflag:s0] =	ssyncset.done @!p0 $0x0  }
0x49: {  	[sflag:s0] =	ssyncadd.s32 @!p0 s1  }
0x4a: {  	[bflag:$0x3] =	sbarrier.arrive $0xFFFF  }
0x4b: {  	_ =	shalt  }

</sc_bundles>
